<compile_context>
chip_gen: v7x
topology: tpu7x:2x2x1
jax: 0.10.2.dev20260603
libtpu: 0.0.44.dev20260713+nightly
codegen_flags: <defaults>
</compile_context>

<pallas_src>
import functools

import jax
import jax.numpy as jnp
from jax import lax
from jax.experimental import pallas as pl
from jax.experimental.pallas import tpu as pltpu
from jax.experimental.pallas import tpu_sc as plsc

_B = 256
_DIN = 1024
_D = 2048
_C = 1000
_K = 100
_N = _C + _B
_NP = 1280
_CP = 1024
_RB = 200
_ZC = 512


def _row_block_stats(lhs, w, b):
    logits = jax.lax.dot_general(
        lhs, w, (((1,), (1,)), ((), ())),
        preferred_element_type=jnp.float32) + b
    m = jnp.max(logits, axis=1, keepdims=True)
    e = jnp.exp(logits - m)
    s = jnp.sum(e, axis=1, keepdims=True)
    t = jnp.sum(e * logits, axis=1, keepdims=True)
    cols = jax.lax.broadcasted_iota(jnp.int32, logits.shape, 1)
    bi = jnp.min(jnp.where(logits == m, cols, jnp.int32(2**30)),
                 axis=1, keepdims=True)
    ent = m + jnp.log(s) - t / s
    rn2 = jnp.sum(lhs * lhs, axis=1, keepdims=True)
    invn = jax.lax.rsqrt(jnp.maximum(rn2, 1e-24))
    return ent, bi, invn


def _k12_body(w_ref, x_ref, fw_ref, fb_ref, b_ref,
              z_ref, ent_ref, idx_ref, rn2_ref, z_sc):
    s = pl.program_id(0)
    w = w_ref[...]
    b = b_ref[...]

    @pl.when(s <= 3)
    def _z_chunk():
        zc = jax.lax.dot_general(
            x_ref[...], fw_ref[...], (((1,), (1,)), ((), ())),
            preferred_element_type=jnp.float32) + fb_ref[...]
        z_sc[:, pl.ds(s * _ZC, _ZC)] = zc
        z_ref[...] = zc

    @pl.when(s < 5)
    def _warmup_rows():
        lhs = w_ref[pl.ds(s * _RB, _RB), :]
        ent, bi, rn2 = _row_block_stats(lhs, w, b)
        ent_ref[pl.ds(s * _RB, _RB), :] = ent
        idx_ref[pl.ds(s * _RB, _RB), :] = bi
        rn2_ref[pl.ds(s * _RB, _RB), :] = rn2

    @pl.when(s == 5)
    def _batch_rows():
        ent, bi, rn2 = _row_block_stats(z_sc[...], w, b)
        ent_ref[pl.ds(_C, _B), :] = ent
        idx_ref[pl.ds(_C, _B), :] = bi
        rn2_ref[pl.ds(_C, _B), :] = rn2
        idx_ref[pl.ds(_N, _NP - _N), :] = jnp.full(
            (_NP - _N, 1), -1, jnp.int32)


def _k12(x, feat_W, feat_b, cls_W, cls_b):
    return pl.pallas_call(
        _k12_body,
        grid=(6,),
        in_specs=[
            pl.BlockSpec((_C, _D), lambda s: (0, 0)),
            pl.BlockSpec((_B, _DIN), lambda s: (0, 0)),
            pl.BlockSpec((_ZC, _DIN), lambda s: (jnp.minimum(s, 3), 0)),
            pl.BlockSpec((1, _ZC), lambda s: (0, jnp.minimum(s, 3))),
            pl.BlockSpec((1, _C), lambda s: (0, 0)),
        ],
        out_specs=[
            pl.BlockSpec((_B, _ZC), lambda s: (0, jnp.minimum(s, 3))),
            pl.BlockSpec((_NP, 1), lambda s: (0, 0)),
            pl.BlockSpec((_NP, 1), lambda s: (0, 0)),
            pl.BlockSpec((_NP, 1), lambda s: (0, 0)),
        ],
        out_shape=[
            jax.ShapeDtypeStruct((_B, _D), jnp.float32),
            jax.ShapeDtypeStruct((_NP, 1), jnp.float32),
            jax.ShapeDtypeStruct((_NP, 1), jnp.int32),
            jax.ShapeDtypeStruct((_NP, 1), jnp.float32),
        ],
        scratch_shapes=[pltpu.VMEM((_B, _D), jnp.float32)],
        compiler_params=pltpu.CompilerParams(
            dimension_semantics=("arbitrary",)),
    )(cls_W, x, feat_W, feat_b.reshape(1, _D), cls_b.reshape(1, _C))


def _k45_body(y_c_ref, coef_ref, w_ref, z_ref, o_ref):
    y_c = y_c_ref[...]
    coef = coef_ref[...]
    yA = y_c[:_C, :]
    cA = coef[:_C, :]
    yB = y_c[_C:_N, :]
    cB = coef[_C:_N, :]
    clsA = jax.lax.broadcasted_iota(jnp.int32, (_C, _CP), 1)
    clsB = jax.lax.broadcasted_iota(jnp.int32, (_B, _CP), 1)
    ohA = jnp.where(yA == clsA, cA, 0.0).astype(jnp.bfloat16)
    ohB = jnp.where(yB == clsB, cB, 0.0).astype(jnp.bfloat16)
    z = z_ref[...]
    wT = jax.lax.dot_general(
        ohA, w_ref[...].astype(jnp.bfloat16), (((0,), (0,)), ((), ())),
        preferred_element_type=jnp.float32)
    wT = wT + jax.lax.dot_general(
        ohB, z.astype(jnp.bfloat16), (((0,), (0,)), ((), ())),
        preferred_element_type=jnp.float32)
    wn2 = jnp.sum(wT * wT, axis=1, keepdims=True)
    wn = wT * jax.lax.rsqrt(jnp.maximum(wn2, 1e-24))
    res = jax.lax.dot_general(
        z, wn, (((1,), (1,)), ((), ())),
        preferred_element_type=jnp.float32)
    o_ref[...] = res[:, :_C]


def _k45(yidx, coef, cls_W, z):
    return pl.pallas_call(
        _k45_body,
        in_specs=[
            pl.BlockSpec((_NP, 1), lambda: (0, 0)),
            pl.BlockSpec((_NP, 1), lambda: (0, 0)),
            pl.BlockSpec((_C, _D), lambda: (0, 0)),
            pl.BlockSpec((_B, _D), lambda: (0, 0)),
        ],
        out_specs=pl.BlockSpec((_B, _C), lambda: (0, 0)),
        out_shape=jax.ShapeDtypeStruct((_B, _C), jnp.float32),
    )(yidx, coef, cls_W, z)



_NC = 2
_NS = 16
_NW = _NC * _NS
_RPW = _NP // _NW
_HS = 1024


def _sc_rank_body(ent_hbm, y_hbm, invn_hbm, coef_hbm,
                  ent_v, y_v, invn_v, hist_v, coef_v):
    wid = lax.axis_index("s") * _NC + lax.axis_index("c")
    base = wid * _RPW
    pltpu.sync_copy(ent_hbm, ent_v.at[pl.ds(0, _NP)])
    pltpu.sync_copy(y_hbm, y_v.at[pl.ds(0, _NP)])
    pltpu.sync_copy(invn_hbm.at[pl.ds(base, _RPW)], invn_v.at[pl.ds(0, _RPW)])

    for t in range(16):
        y_v[pl.ds(_NP + t * 16, 16)] = jnp.full((16,), -1, jnp.int32)
        ent_v[pl.ds(_NP + t * 16, 16)] = jnp.zeros((16,), jnp.float32)

    zeros16 = jnp.zeros((16,), jnp.int32)
    zeros16f = jnp.zeros((16,), jnp.float32)
    ones16f = jnp.ones((16,), jnp.float32)
    lanes = lax.iota(jnp.int32, 16)

    def zero_body(i, _):
        hist_v[pl.ds(i * 16, 16)] = zeros16f
        return 0
    lax.fori_loop(0, (16 * _HS) // 16, zero_body, 0)

    def hist_body(i, _):
        yj = y_v[pl.ds(i * 16, 16)]
        addr = lanes * _HS + jnp.maximum(yj, 0)
        plsc.addupdate_scatter(hist_v, [addr], ones16f, mask=yj >= 0)
        return 0
    lax.fori_loop(0, _NP // 16, hist_body, 0)

    def count_for(yc):
        yc0 = jnp.minimum(jnp.maximum(yc, 0), _HS - 1)
        m = zeros16f
        for l in range(16):
            m = m + plsc.load_gather(hist_v, [yc0 + l * _HS])
        return m

    y_chunks, m_chunks, g_chunks = [], [], []
    big = jnp.zeros((), jnp.bool_)
    for c in range(3):
        yc = y_v[pl.ds(base + c * 16, 16)]
        gidx = base + c * 16 + lanes
        m = count_for(yc)
        valid = gidx < _N
        big = big | (jnp.max(jnp.where(valid, m, 0.0)) > float(_K))
        y_chunks.append(yc)
        m_chunks.append(m)
        g_chunks.append(gidx)

    def fast_path():
        ones16 = jnp.ones((16,), jnp.int32)
        return (ones16, ones16, ones16)

    def slow_path():
        sels = []
        for c in range(3):
            enti = ent_v[pl.ds(base + c * 16, 16)]
            yi = y_chunks[c]
            gidx = g_chunks[c]

            def jbody(j, acc):
                js = jnp.full((16,), j, jnp.int32)
                entj = plsc.load_gather(ent_v, [js])
                yj = plsc.load_gather(y_v, [js])
                same = yj == yi
                earlier = (entj < enti) | ((entj == enti) & (js < gidx))
                return acc + jnp.where(same & earlier, 1, 0)

            rank = lax.fori_loop(0, _N, jbody, zeros16)
            sels.append(jnp.where(rank < _K, 1, 0))
        return tuple(sels)

    sel0, sel1, sel2 = lax.cond(big, slow_path, fast_path)
    sels = (sel0, sel1, sel2)
    for c in range(3):
        inv = invn_v[pl.ds(c * 16, 16)]
        keep = (sels[c] > 0) & (g_chunks[c] < _N)
        coef_v[pl.ds(c * 16, 16)] = jnp.where(keep, inv, 0.0)

    pltpu.sync_copy(coef_v.at[pl.ds(0, _RPW)], coef_hbm.at[pl.ds(base, _RPW)])


def _sc_rank_coef(ent, yidx, invn):
    return pl.kernel(
        _sc_rank_body,
        mesh=plsc.VectorSubcoreMesh(core_axis_name="c", subcore_axis_name="s"),
        out_type=jax.ShapeDtypeStruct((_NP,), jnp.float32),
        compiler_params=pltpu.CompilerParams(needs_layout_passes=False),
        scratch_types=[
            pltpu.VMEM((_NP + 256,), jnp.float32),
            pltpu.VMEM((_NP + 256,), jnp.int32),
            pltpu.VMEM((48,), jnp.float32),
            pltpu.VMEM((16 * _HS,), jnp.float32),
            pltpu.VMEM((48,), jnp.float32),
        ],
    )(ent, yidx, invn)


def kernel(x, feat_W, feat_b, cls_W, cls_b):
    z, ent, yidx, invn = _k12(x, feat_W, feat_b, cls_W, cls_b)
    coef = _sc_rank_coef(
        ent.reshape(_NP), yidx.reshape(_NP), invn.reshape(_NP))
    return _k45(yidx, coef.reshape(_NP, 1), cls_W, z)

# --- scband reference (transcript-rebuilt; emitter-appended) ---
"""Pipeline reference for scband-t3-a-18236431139127 (READ-ONLY COPY).

The authoritative reference and input builder live on the scoring server;
editing this copy changes nothing except your own understanding.
"""

import jax, jax.numpy as jnp
import numpy as np

B = 256
D_IN = 1024
D_FEAT = 2048
C = 1000
FILTER_K = 100


def setup_inputs(seed: int = 0) -> dict:
    key = jax.random.key(seed)
    k1, k2, k3, k4 = jax.random.split(key, 4)
    x = jax.random.normal(k1, (B, D_IN), dtype=jnp.float32)
    feat_W = jax.random.normal(k2, (D_FEAT, D_IN), dtype=jnp.float32) * 0.02
    feat_b = jnp.zeros((D_FEAT,), dtype=jnp.float32)
    cls_W = jax.random.normal(k3, (C, D_FEAT), dtype=jnp.float32) * 0.02
    cls_b = jnp.zeros((C,), dtype=jnp.float32)
    return {"x": x, "feat_W": feat_W, "feat_b": feat_b, "cls_W": cls_W, "cls_b": cls_b}


def _softmax_entropy(logits):
    logp = jax.nn.log_softmax(logits, axis=1)
    return -(jnp.exp(logp) * logp).sum(axis=1)


def _one_hot_argmax(p, num_classes):
    return jax.nn.one_hot(jnp.argmax(p, axis=1), num_classes, dtype=jnp.float32)


def _row_normalize(m):
    sq = (m * m).sum(axis=1, keepdims=True)
    nrm = jnp.sqrt(jnp.maximum(sq, 1e-24))
    return m / nrm


def _col_normalize(m):
    sq = (m * m).sum(axis=0, keepdims=True)
    nrm = jnp.sqrt(jnp.maximum(sq, 1e-24))
    return m / nrm


def reference(x, feat_W, feat_b, cls_W, cls_b):
    # warmup state: supports = classifier weight rows
    warmup_supports = cls_W  # [C, d]
    warmup_prob = warmup_supports @ cls_W.T + cls_b  # [C, C]
    warmup_ent = _softmax_entropy(warmup_prob)
    warmup_labels = _one_hot_argmax(warmup_prob, C)
    # forward pass on batch
    z = x @ feat_W.T + feat_b  # featurizer  [B, d]
    p = z @ cls_W.T + cls_b    # classifier  [B, C]
    yhat = _one_hot_argmax(p, C)
    ent = _softmax_entropy(p)
    # append to support set
    supports = jnp.concatenate([warmup_supports, z], axis=0)   # [N, d]
    labels = jnp.concatenate([warmup_labels, yhat], axis=0)    # [N, C]
    ent_all = jnp.concatenate([warmup_ent, ent], axis=0)       # [N]
    # select_supports: per-class keep filter_K lowest-entropy rows.
    # Implemented as a static-shape rank mask (equivalent to per-class sort + truncate).
    y_hat = jnp.argmax(labels, axis=1)
    idx = jnp.arange(ent_all.shape[0])
    same = y_hat[:, None] == y_hat[None, :]
    earlier = (ent_all[None, :] < ent_all[:, None]) | (
        (ent_all[None, :] == ent_all[:, None]) & (idx[None, :] < idx[:, None])
    )
    rank = (same & earlier).sum(axis=1)
    sel = (rank < FILTER_K).astype(jnp.float32)  # [N]
    # prototype weights
    sup_norm = _row_normalize(supports)
    weights = sup_norm.T @ (labels * sel[:, None])  # [d, C]
    w_norm = _col_normalize(weights)
    return z @ w_norm  # [B, C]

if __name__ == "__main__":
    import jax
    _d = setup_inputs()
    print(jax.jit(kernel)(*tuple(_d.values())))

</pallas_src>

<mosaic_0001>
#map = affine_map<(d0, d1) -> (0)>
module attributes {stable_mosaic.version = 14 : i64} {
  func.func @_sc_rank_body(%arg0: i32, %arg1: i32, %arg2: memref<1280xf32, #tpu.memory_space<hbm>>, %arg3: memref<1280xi32, #tpu.memory_space<hbm>>, %arg4: memref<1280xf32, #tpu.memory_space<hbm>>, %arg5: memref<1280xf32, #tpu.memory_space<hbm>>, %arg6: memref<1536xf32, #tpu.memory_space<vmem>>, %arg7: memref<1536xi32, #tpu.memory_space<vmem>>, %arg8: memref<48xf32, #tpu.memory_space<vmem>>, %arg9: memref<16384xf32, #tpu.memory_space<vmem>>, %arg10: memref<48xf32, #tpu.memory_space<vmem>>) attributes {dimension_semantics = [#tpu.dimension_semantics<core_parallel>, #tpu.dimension_semantics<subcore_parallel>], iteration_bounds = array<i64: 2, 16>, scalar_prefetch = 0 : i64, scratch_operands = 5 : i64, tpu.core_type = #tpu.core_type<sc_vector_subcore>, window_params = [{transform_indices = #map}, {transform_indices = #map}, {transform_indices = #map}, {transform_indices = #map}]} {
    %mul3A = arith.constant 2 : i32
    %mul3A_0 = arith.muli %arg1, %mul3A : i32
    %add3A = arith.addi %mul3A_0, %arg0 : i32
    %mul3A_1 = arith.constant 40 : i32
    %mul3A_2 = arith.muli %add3A, %mul3A_1 : i32
    "tpu.region"() ({
      %run_scoped3A = tpu.sem_alloc : memref<!tpu.dma_semaphore, #tpu.memory_space<semaphore_mem>>
      %dma_start3A = arith.constant 0 : i32
      %dma_start3A_503 = tpu.memref_slice %arg6[%dma_start3A] : memref<1536xf32, #tpu.memory_space<vmem>> -> memref<1280xf32, #tpu.memory_space<vmem>>
      %dma_start3A_504 = arith.constant 0 : i32
      %dma_start3A_505 = tpu.memref_slice %arg6[%dma_start3A_504] : memref<1536xf32, #tpu.memory_space<vmem>> -> memref<1280xf32, #tpu.memory_space<vmem>>
      tpu.enqueue_dma source(%arg2 : memref<1280xf32, #tpu.memory_space<hbm>>) target(%dma_start3A_505 : memref<1280xf32, #tpu.memory_space<vmem>>) target_semaphore(%run_scoped3A : memref<!tpu.dma_semaphore, #tpu.memory_space<semaphore_mem>>)
      %dma_wait3A = arith.constant 0 : i32
      %dma_wait3A_506 = tpu.memref_slice %arg6[%dma_wait3A] : memref<1536xf32, #tpu.memory_space<vmem>> -> memref<1280xf32, #tpu.memory_space<vmem>>
      %dma_wait3A_507 = arith.constant 0 : i32
      %dma_wait3A_508 = tpu.memref_slice %arg6[%dma_wait3A_507] : memref<1536xf32, #tpu.memory_space<vmem>> -> memref<1280xf32, #tpu.memory_space<vmem>>
      tpu.wait_dma2 semaphore(%run_scoped3A : memref<!tpu.dma_semaphore, #tpu.memory_space<semaphore_mem>>) src(%arg2 : memref<1280xf32, #tpu.memory_space<hbm>>) dst(%dma_wait3A_508 : memref<1280xf32, #tpu.memory_space<vmem>>)
      tpu.yield
    }) : () -> ()
    "tpu.region"() ({
      %run_scoped3A = tpu.sem_alloc : memref<!tpu.dma_semaphore, #tpu.memory_space<semaphore_mem>>
      %dma_start3A = arith.constant 0 : i32
      %dma_start3A_503 = tpu.memref_slice %arg7[%dma_start3A] : memref<1536xi32, #tpu.memory_space<vmem>> -> memref<1280xi32, #tpu.memory_space<vmem>>
      %dma_start3A_504 = arith.constant 0 : i32
      %dma_start3A_505 = tpu.memref_slice %arg7[%dma_start3A_504] : memref<1536xi32, #tpu.memory_space<vmem>> -> memref<1280xi32, #tpu.memory_space<vmem>>
      tpu.enqueue_dma source(%arg3 : memref<1280xi32, #tpu.memory_space<hbm>>) target(%dma_start3A_505 : memref<1280xi32, #tpu.memory_space<vmem>>) target_semaphore(%run_scoped3A : memref<!tpu.dma_semaphore, #tpu.memory_space<semaphore_mem>>)
      %dma_wait3A = arith.constant 0 : i32
      %dma_wait3A_506 = tpu.memref_slice %arg7[%dma_wait3A] : memref<1536xi32, #tpu.memory_space<vmem>> -> memref<1280xi32, #tpu.memory_space<vmem>>
      %dma_wait3A_507 = arith.constant 0 : i32
      %dma_wait3A_508 = tpu.memref_slice %arg7[%dma_wait3A_507] : memref<1536xi32, #tpu.memory_space<vmem>> -> memref<1280xi32, #tpu.memory_space<vmem>>
      tpu.wait_dma2 semaphore(%run_scoped3A : memref<!tpu.dma_semaphore, #tpu.memory_space<semaphore_mem>>) src(%arg3 : memref<1280xi32, #tpu.memory_space<hbm>>) dst(%dma_wait3A_508 : memref<1280xi32, #tpu.memory_space<vmem>>)
      tpu.yield
    }) : () -> ()
    "tpu.region"() ({
      %run_scoped3A = tpu.sem_alloc : memref<!tpu.dma_semaphore, #tpu.memory_space<semaphore_mem>>
      %dma_start3A = arith.constant 0 : i32
      %dma_start3A_503 = tpu.memref_slice %arg8[%dma_start3A] : memref<48xf32, #tpu.memory_space<vmem>> -> memref<40xf32, #tpu.memory_space<vmem>>
      %dma_start3A_504 = tpu.memref_slice %arg4[%mul3A_2] : memref<1280xf32, #tpu.memory_space<hbm>> -> memref<40xf32, #tpu.memory_space<hbm>>
      %dma_start3A_505 = arith.constant 0 : i32
      %dma_start3A_506 = tpu.memref_slice %arg8[%dma_start3A_505] : memref<48xf32, #tpu.memory_space<vmem>> -> memref<40xf32, #tpu.memory_space<vmem>>
      %dma_start3A_507 = tpu.memref_slice %arg4[%mul3A_2] : memref<1280xf32, #tpu.memory_space<hbm>> -> memref<40xf32, #tpu.memory_space<hbm>>
      tpu.enqueue_dma source(%dma_start3A_507 : memref<40xf32, #tpu.memory_space<hbm>>) target(%dma_start3A_506 : memref<40xf32, #tpu.memory_space<vmem>>) target_semaphore(%run_scoped3A : memref<!tpu.dma_semaphore, #tpu.memory_space<semaphore_mem>>)
      %dma_wait3A = arith.constant 0 : i32
      %dma_wait3A_508 = tpu.memref_slice %arg8[%dma_wait3A] : memref<48xf32, #tpu.memory_space<vmem>> -> memref<40xf32, #tpu.memory_space<vmem>>
      %dma_wait3A_509 = tpu.memref_slice %arg4[%mul3A_2] : memref<1280xf32, #tpu.memory_space<hbm>> -> memref<40xf32, #tpu.memory_space<hbm>>
      %dma_wait3A_510 = arith.constant 0 : i32
      %dma_wait3A_511 = tpu.memref_slice %arg8[%dma_wait3A_510] : memref<48xf32, #tpu.memory_space<vmem>> -> memref<40xf32, #tpu.memory_space<vmem>>
      %dma_wait3A_512 = tpu.memref_slice %arg4[%mul3A_2] : memref<1280xf32, #tpu.memory_space<hbm>> -> memref<40xf32, #tpu.memory_space<hbm>>
      tpu.wait_dma2 semaphore(%run_scoped3A : memref<!tpu.dma_semaphore, #tpu.memory_space<semaphore_mem>>) src(%dma_wait3A_512 : memref<40xf32, #tpu.memory_space<hbm>>) dst(%dma_wait3A_511 : memref<40xf32, #tpu.memory_space<vmem>>)
      tpu.yield
    }) : () -> ()
    %broadcast_in_dim3A = arith.constant -1 : i32
    %broadcast_in_dim3A_3 = vector.broadcast %broadcast_in_dim3A : i32 to vector<16xi32>
    %swap3A = arith.constant 1280 : index
    %swap3A_4 = tpu.vector_load %arg7[%swap3A] {strides = array<i32>} : memref<1536xi32, #tpu.memory_space<vmem>>, vector<16xi32>,
    tpu.vector_store %arg7[%swap3A], %broadcast_in_dim3A_3 {strides = array<i32>} : memref<1536xi32, #tpu.memory_space<vmem>>, vector<16xi32>,
    %broadcast_in_dim3A_5 = arith.constant 0.000000e+00 : f32
    %broadcast_in_dim3A_6 = vector.broadcast %broadcast_in_dim3A_5 : f32 to vector<16xf32>
    %swap3A_7 = arith.constant 1280 : index
    %swap3A_8 = tpu.vector_load %arg6[%swap3A_7] {strides = array<i32>} : memref<1536xf32, #tpu.memory_space<vmem>>, vector<16xf32>,
    tpu.vector_store %arg6[%swap3A_7], %broadcast_in_dim3A_6 {strides = array<i32>} : memref<1536xf32, #tpu.memory_space<vmem>>, vector<16xf32>,
    %broadcast_in_dim3A_9 = arith.constant -1 : i32
    %broadcast_in_dim3A_10 = vector.broadcast %broadcast_in_dim3A_9 : i32 to vector<16xi32>
    %swap3A_11 = arith.constant 1296 : index
    %swap3A_12 = tpu.vector_load %arg7[%swap3A_11] {strides = array<i32>} : memref<1536xi32, #tpu.memory_space<vmem>>, vector<16xi32>,
    tpu.vector_store %arg7[%swap3A_11], %broadcast_in_dim3A_10 {strides = array<i32>} : memref<1536xi32, #tpu.memory_space<vmem>>, vector<16xi32>,
    %broadcast_in_dim3A_13 = arith.constant 0.000000e+00 : f32
    %broadcast_in_dim3A_14 = vector.broadcast %broadcast_in_dim3A_13 : f32 to vector<16xf32>
    %swap3A_15 = arith.constant 1296 : index
    %swap3A_16 = tpu.vector_load %arg6[%swap3A_15] {strides = array<i32>} : memref<1536xf32, #tpu.memory_space<vmem>>, vector<16xf32>,
    tpu.vector_store %arg6[%swap3A_15], %broadcast_in_dim3A_14 {strides = array<i32>} : memref<1536xf32, #tpu.memory_space<vmem>>, vector<16xf32>,
    %broadcast_in_dim3A_17 = arith.constant -1 : i32
    %broadcast_in_dim3A_18 = vector.broadcast %broadcast_in_dim3A_17 : i32 to vector<16xi32>
    %swap3A_19 = arith.constant 1312 : index
    %swap3A_20 = tpu.vector_load %arg7[%swap3A_19] {strides = array<i32>} : memref<1536xi32, #tpu.memory_space<vmem>>, vector<16xi32>,
    tpu.vector_store %arg7[%swap3A_19], %broadcast_in_dim3A_18 {strides = array<i32>} : memref<1536xi32, #tpu.memory_space<vmem>>, vector<16xi32>,
    %broadcast_in_dim3A_21 = arith.constant 0.000000e+00 : f32
    %broadcast_in_dim3A_22 = vector.broadcast %broadcast_in_dim3A_21 : f32 to vector<16xf32>
    %swap3A_23 = arith.constant 1312 : index
    %swap3A_24 = tpu.vector_load %arg6[%swap3A_23] {strides = array<i32>} : memref<1536xf32, #tpu.memory_space<vmem>>, vector<16xf32>,
    tpu.vector_store %arg6[%swap3A_23], %broadcast_in_dim3A_22 {strides = array<i32>} : memref<1536xf32, #tpu.memory_space<vmem>>, vector<16xf32>,
    %broadcast_in_dim3A_25 = arith.constant -1 : i32
    %broadcast_in_dim3A_26 = vector.broadcast %broadcast_in_dim3A_25 : i32 to vector<16xi32>
    %swap3A_27 = arith.constant 1328 : index
    %swap3A_28 = tpu.vector_load %arg7[%swap3A_27] {strides = array<i32>} : memref<1536xi32, #tpu.memory_space<vmem>>, vector<16xi32>,
    tpu.vector_store %arg7[%swap3A_27], %broadcast_in_dim3A_26 {strides = array<i32>} : memref<1536xi32, #tpu.memory_space<vmem>>, vector<16xi32>,
    %broadcast_in_dim3A_29 = arith.constant 0.000000e+00 : f32
    %broadcast_in_dim3A_30 = vector.broadcast %broadcast_in_dim3A_29 : f32 to vector<16xf32>
    %swap3A_31 = arith.constant 1328 : index
    %swap3A_32 = tpu.vector_load %arg6[%swap3A_31] {strides = array<i32>} : memref<1536xf32, #tpu.memory_space<vmem>>, vector<16xf32>,
    tpu.vector_store %arg6[%swap3A_31], %broadcast_in_dim3A_30 {strides = array<i32>} : memref<1536xf32, #tpu.memory_space<vmem>>, vector<16xf32>,
    %broadcast_in_dim3A_33 = arith.constant -1 : i32
    %broadcast_in_dim3A_34 = vector.broadcast %broadcast_in_dim3A_33 : i32 to vector<16xi32>
    %swap3A_35 = arith.constant 1344 : index
    %swap3A_36 = tpu.vector_load %arg7[%swap3A_35] {strides = array<i32>} : memref<1536xi32, #tpu.memory_space<vmem>>, vector<16xi32>,
    tpu.vector_store %arg7[%swap3A_35], %broadcast_in_dim3A_34 {strides = array<i32>} : memref<1536xi32, #tpu.memory_space<vmem>>, vector<16xi32>,
    %broadcast_in_dim3A_37 = arith.constant 0.000000e+00 : f32
    %broadcast_in_dim3A_38 = vector.broadcast %broadcast_in_dim3A_37 : f32 to vector<16xf32>
    %swap3A_39 = arith.constant 1344 : index
    %swap3A_40 = tpu.vector_load %arg6[%swap3A_39] {strides = array<i32>} : memref<1536xf32, #tpu.memory_space<vmem>>, vector<16xf32>,
    tpu.vector_store %arg6[%swap3A_39], %broadcast_in_dim3A_38 {strides = array<i32>} : memref<1536xf32, #tpu.memory_space<vmem>>, vector<16xf32>,
    %broadcast_in_dim3A_41 = arith.constant -1 : i32
    %broadcast_in_dim3A_42 = vector.broadcast %broadcast_in_dim3A_41 : i32 to vector<16xi32>
    %swap3A_43 = arith.constant 1360 : index
    %swap3A_44 = tpu.vector_load %arg7[%swap3A_43] {strides = array<i32>} : memref<1536xi32, #tpu.memory_space<vmem>>, vector<16xi32>,
    tpu.vector_store %arg7[%swap3A_43], %broadcast_in_dim3A_42 {strides = array<i32>} : memref<1536xi32, #tpu.memory_space<vmem>>, vector<16xi32>,
    %broadcast_in_dim3A_45 = arith.constant 0.000000e+00 : f32
    %broadcast_in_dim3A_46 = vector.broadcast %broadcast_in_dim3A_45 : f32 to vector<16xf32>
    %swap3A_47 = arith.constant 1360 : index
    %swap3A_48 = tpu.vector_load %arg6[%swap3A_47] {strides = array<i32>} : memref<1536xf32, #tpu.memory_space<vmem>>, vector<16xf32>,
    tpu.vector_store %arg6[%swap3A_47], %broadcast_in_dim3A_46 {strides = array<i32>} : memref<1536xf32, #tpu.memory_space<vmem>>, vector<16xf32>,
    %broadcast_in_dim3A_49 = arith.constant -1 : i32
    %broadcast_in_dim3A_50 = vector.broadcast %broadcast_in_dim3A_49 : i32 to vector<16xi32>
    %swap3A_51 = arith.constant 1376 : index
    %swap3A_52 = tpu.vector_load %arg7[%swap3A_51] {strides = array<i32>} : memref<1536xi32, #tpu.memory_space<vmem>>, vector<16xi32>,
    tpu.vector_store %arg7[%swap3A_51], %broadcast_in_dim3A_50 {strides = array<i32>} : memref<1536xi32, #tpu.memory_space<vmem>>, vector<16xi32>,
    %broadcast_in_dim3A_53 = arith.constant 0.000000e+00 : f32
    %broadcast_in_dim3A_54 = vector.broadcast %broadcast_in_dim3A_53 : f32 to vector<16xf32>
    %swap3A_55 = arith.constant 1376 : index
    %swap3A_56 = tpu.vector_load %arg6[%swap3A_55] {strides = array<i32>} : memref<1536xf32, #tpu.memory_space<vmem>>, vector<16xf32>,
    tpu.vector_store %arg6[%swap3A_55], %broadcast_in_dim3A_54 {strides = array<i32>} : memref<1536xf32, #tpu.memory_space<vmem>>, vector<16xf32>,
    %broadcast_in_dim3A_57 = arith.constant -1 : i32
    %broadcast_in_dim3A_58 = vector.broadcast %broadcast_in_dim3A_57 : i32 to vector<16xi32>
    %swap3A_59 = arith.constant 1392 : index
    %swap3A_60 = tpu.vector_load %arg7[%swap3A_59] {strides = array<i32>} : memref<1536xi32, #tpu.memory_space<vmem>>, vector<16xi32>,
    tpu.vector_store %arg7[%swap3A_59], %broadcast_in_dim3A_58 {strides = array<i32>} : memref<1536xi32, #tpu.memory_space<vmem>>, vector<16xi32>,
    %broadcast_in_dim3A_61 = arith.constant 0.000000e+00 : f32
    %broadcast_in_dim3A_62 = vector.broadcast %broadcast_in_dim3A_61 : f32 to vector<16xf32>
    %swap3A_63 = arith.constant 1392 : index
    %swap3A_64 = tpu.vector_load %arg6[%swap3A_63] {strides = array<i32>} : memref<1536xf32, #tpu.memory_space<vmem>>, vector<16xf32>,
    tpu.vector_store %arg6[%swap3A_63], %broadcast_in_dim3A_62 {strides = array<i32>} : memref<1536xf32, #tpu.memory_space<vmem>>, vector<16xf32>,
    %broadcast_in_dim3A_65 = arith.constant -1 : i32
    %broadcast_in_dim3A_66 = vector.broadcast %broadcast_in_dim3A_65 : i32 to vector<16xi32>
    %swap3A_67 = arith.constant 1408 : index
    %swap3A_68 = tpu.vector_load %arg7[%swap3A_67] {strides = array<i32>} : memref<1536xi32, #tpu.memory_space<vmem>>, vector<16xi32>,
    tpu.vector_store %arg7[%swap3A_67], %broadcast_in_dim3A_66 {strides = array<i32>} : memref<1536xi32, #tpu.memory_space<vmem>>, vector<16xi32>,
    %broadcast_in_dim3A_69 = arith.constant 0.000000e+00 : f32
    %broadcast_in_dim3A_70 = vector.broadcast %broadcast_in_dim3A_69 : f32 to vector<16xf32>
    %swap3A_71 = arith.constant 1408 : index
    %swap3A_72 = tpu.vector_load %arg6[%swap3A_71] {strides = array<i32>} : memref<1536xf32, #tpu.memory_space<vmem>>, vector<16xf32>,
    tpu.vector_store %arg6[%swap3A_71], %broadcast_in_dim3A_70 {strides = array<i32>} : memref<1536xf32, #tpu.memory_space<vmem>>, vector<16xf32>,
    %broadcast_in_dim3A_73 = arith.constant -1 : i32
    %broadcast_in_dim3A_74 = vector.broadcast %broadcast_in_dim3A_73 : i32 to vector<16xi32>
    %swap3A_75 = arith.constant 1424 : index
    %swap3A_76 = tpu.vector_load %arg7[%swap3A_75] {strides = array<i32>} : memref<1536xi32, #tpu.memory_space<vmem>>, vector<16xi32>,
    tpu.vector_store %arg7[%swap3A_75], %broadcast_in_dim3A_74 {strides = array<i32>} : memref<1536xi32, #tpu.memory_space<vmem>>, vector<16xi32>,
    %broadcast_in_dim3A_77 = arith.constant 0.000000e+00 : f32
    %broadcast_in_dim3A_78 = vector.broadcast %broadcast_in_dim3A_77 : f32 to vector<16xf32>
    %swap3A_79 = arith.constant 1424 : index
    %swap3A_80 = tpu.vector_load %arg6[%swap3A_79] {strides = array<i32>} : memref<1536xf32, #tpu.memory_space<vmem>>, vector<16xf32>,
    tpu.vector_store %arg6[%swap3A_79], %broadcast_in_dim3A_78 {strides = array<i32>} : memref<1536xf32, #tpu.memory_space<vmem>>, vector<16xf32>,
    %broadcast_in_dim3A_81 = arith.constant -1 : i32
    %broadcast_in_dim3A_82 = vector.broadcast %broadcast_in_dim3A_81 : i32 to vector<16xi32>
    %swap3A_83 = arith.constant 1440 : index
    %swap3A_84 = tpu.vector_load %arg7[%swap3A_83] {strides = array<i32>} : memref<1536xi32, #tpu.memory_space<vmem>>, vector<16xi32>,
    tpu.vector_store %arg7[%swap3A_83], %broadcast_in_dim3A_82 {strides = array<i32>} : memref<1536xi32, #tpu.memory_space<vmem>>, vector<16xi32>,
    %broadcast_in_dim3A_85 = arith.constant 0.000000e+00 : f32
    %broadcast_in_dim3A_86 = vector.broadcast %broadcast_in_dim3A_85 : f32 to vector<16xf32>
    %swap3A_87 = arith.constant 1440 : index
    %swap3A_88 = tpu.vector_load %arg6[%swap3A_87] {strides = array<i32>} : memref<1536xf32, #tpu.memory_space<vmem>>, vector<16xf32>,
    tpu.vector_store %arg6[%swap3A_87], %broadcast_in_dim3A_86 {strides = array<i32>} : memref<1536xf32, #tpu.memory_space<vmem>>, vector<16xf32>,
    %broadcast_in_dim3A_89 = arith.constant -1 : i32
    %broadcast_in_dim3A_90 = vector.broadcast %broadcast_in_dim3A_89 : i32 to vector<16xi32>
    %swap3A_91 = arith.constant 1456 : index
    %swap3A_92 = tpu.vector_load %arg7[%swap3A_91] {strides = array<i32>} : memref<1536xi32, #tpu.memory_space<vmem>>, vector<16xi32>,
    tpu.vector_store %arg7[%swap3A_91], %broadcast_in_dim3A_90 {strides = array<i32>} : memref<1536xi32, #tpu.memory_space<vmem>>, vector<16xi32>,
    %broadcast_in_dim3A_93 = arith.constant 0.000000e+00 : f32
    %broadcast_in_dim3A_94 = vector.broadcast %broadcast_in_dim3A_93 : f32 to vector<16xf32>
    %swap3A_95 = arith.constant 1456 : index
    %swap3A_96 = tpu.vector_load %arg6[%swap3A_95] {strides = array<i32>} : memref<1536xf32, #tpu.memory_space<vmem>>, vector<16xf32>,
    tpu.vector_store %arg6[%swap3A_95], %broadcast_in_dim3A_94 {strides = array<i32>} : memref<1536xf32, #tpu.memory_space<vmem>>, vector<16xf32>,
    %broadcast_in_dim3A_97 = arith.constant -1 : i32
    %broadcast_in_dim3A_98 = vector.broadcast %broadcast_in_dim3A_97 : i32 to vector<16xi32>
    %swap3A_99 = arith.constant 1472 : index
    %swap3A_100 = tpu.vector_load %arg7[%swap3A_99] {strides = array<i32>} : memref<1536xi32, #tpu.memory_space<vmem>>, vector<16xi32>,
    tpu.vector_store %arg7[%swap3A_99], %broadcast_in_dim3A_98 {strides = array<i32>} : memref<1536xi32, #tpu.memory_space<vmem>>, vector<16xi32>,
    %broadcast_in_dim3A_101 = arith.constant 0.000000e+00 : f32
    %broadcast_in_dim3A_102 = vector.broadcast %broadcast_in_dim3A_101 : f32 to vector<16xf32>
    %swap3A_103 = arith.constant 1472 : index
    %swap3A_104 = tpu.vector_load %arg6[%swap3A_103] {strides = array<i32>} : memref<1536xf32, #tpu.memory_space<vmem>>, vector<16xf32>,
    tpu.vector_store %arg6[%swap3A_103], %broadcast_in_dim3A_102 {strides = array<i32>} : memref<1536xf32, #tpu.memory_space<vmem>>, vector<16xf32>,
    %broadcast_in_dim3A_105 = arith.constant -1 : i32
    %broadcast_in_dim3A_106 = vector.broadcast %broadcast_in_dim3A_105 : i32 to vector<16xi32>
    %swap3A_107 = arith.constant 1488 : index
    %swap3A_108 = tpu.vector_load %arg7[%swap3A_107] {strides = array<i32>} : memref<1536xi32, #tpu.memory_space<vmem>>, vector<16xi32>,
    tpu.vector_store %arg7[%swap3A_107], %broadcast_in_dim3A_106 {strides = array<i32>} : memref<1536xi32, #tpu.memory_space<vmem>>, vector<16xi32>,
    %broadcast_in_dim3A_109 = arith.constant 0.000000e+00 : f32
    %broadcast_in_dim3A_110 = vector.broadcast %broadcast_in_dim3A_109 : f32 to vector<16xf32>
    %swap3A_111 = arith.constant 1488 : index
    %swap3A_112 = tpu.vector_load %arg6[%swap3A_111] {strides = array<i32>} : memref<1536xf32, #tpu.memory_space<vmem>>, vector<16xf32>,
    tpu.vector_store %arg6[%swap3A_111], %broadcast_in_dim3A_110 {strides = array<i32>} : memref<1536xf32, #tpu.memory_space<vmem>>, vector<16xf32>,
    %broadcast_in_dim3A_113 = arith.constant -1 : i32
    %broadcast_in_dim3A_114 = vector.broadcast %broadcast_in_dim3A_113 : i32 to vector<16xi32>
    %swap3A_115 = arith.constant 1504 : index
    %swap3A_116 = tpu.vector_load %arg7[%swap3A_115] {strides = array<i32>} : memref<1536xi32, #tpu.memory_space<vmem>>, vector<16xi32>,
    tpu.vector_store %arg7[%swap3A_115], %broadcast_in_dim3A_114 {strides = array<i32>} : memref<1536xi32, #tpu.memory_space<vmem>>, vector<16xi32>,
    %broadcast_in_dim3A_117 = arith.constant 0.000000e+00 : f32
    %broadcast_in_dim3A_118 = vector.broadcast %broadcast_in_dim3A_117 : f32 to vector<16xf32>
    %swap3A_119 = arith.constant 1504 : index
    %swap3A_120 = tpu.vector_load %arg6[%swap3A_119] {strides = array<i32>} : memref<1536xf32, #tpu.memory_space<vmem>>, vector<16xf32>,
    tpu.vector_store %arg6[%swap3A_119], %broadcast_in_dim3A_118 {strides = array<i32>} : memref<1536xf32, #tpu.memory_space<vmem>>, vector<16xf32>,
    %broadcast_in_dim3A_121 = arith.constant -1 : i32
    %broadcast_in_dim3A_122 = vector.broadcast %broadcast_in_dim3A_121 : i32 to vector<16xi32>
    %swap3A_123 = arith.constant 1520 : index
    %swap3A_124 = tpu.vector_load %arg7[%swap3A_123] {strides = array<i32>} : memref<1536xi32, #tpu.memory_space<vmem>>, vector<16xi32>,
    tpu.vector_store %arg7[%swap3A_123], %broadcast_in_dim3A_122 {strides = array<i32>} : memref<1536xi32, #tpu.memory_space<vmem>>, vector<16xi32>,
    %broadcast_in_dim3A_125 = arith.constant 0.000000e+00 : f32
    %broadcast_in_dim3A_126 = vector.broadcast %broadcast_in_dim3A_125 : f32 to vector<16xf32>
    %swap3A_127 = arith.constant 1520 : index
    %swap3A_128 = tpu.vector_load %arg6[%swap3A_127] {strides = array<i32>} : memref<1536xf32, #tpu.memory_space<vmem>>, vector<16xf32>,
    tpu.vector_store %arg6[%swap3A_127], %broadcast_in_dim3A_126 {strides = array<i32>} : memref<1536xf32, #tpu.memory_space<vmem>>, vector<16xf32>,
    %broadcast_in_dim3A_129 = arith.constant 0 : i32
    %broadcast_in_dim3A_130 = vector.broadcast %broadcast_in_dim3A_129 : i32 to vector<16xi32>
    %broadcast_in_dim3A_131 = arith.constant 0.000000e+00 : f32
    %broadcast_in_dim3A_132 = vector.broadcast %broadcast_in_dim3A_131 : f32 to vector<16xf32>
    %broadcast_in_dim3A_133 = arith.constant 1.000000e+00 : f32
    %broadcast_in_dim3A_134 = vector.broadcast %broadcast_in_dim3A_133 : f32 to vector<16xf32>
    %iota3A = tpu.iota {dimensions = array<i32: 0>} : vector<16xi32>
    %scan3A = arith.constant 0 : i32
    %scan3A_135 = arith.constant 0 : i32
    %scan3A_136 = arith.constant 1024 : i32
    %scan3A_137 = arith.addi %scan3A_135, %scan3A_136 : i32
    %scan3A_138 = arith.constant 1 : i32
    %scan3A_139 = scf.for %scan3A_503 = %scan3A_135 to %scan3A_137 step %scan3A_138 iter_args(%scan3A_504 = %scan3A) -> (i32)  : i32 {
      %mul3A_505 = arith.constant 16 : i32
      %mul3A_506 = arith.muli %scan3A_503, %mul3A_505 : i32
      %swap3A_507 = arith.index_cast %mul3A_506 : i32 to index
      %swap3A_508 = tpu.vector_load %arg9[%swap3A_507] {strides = array<i32>} : memref<16384xf32, #tpu.memory_space<vmem>>, vector<16xf32>,
      tpu.vector_store %arg9[%swap3A_507], %broadcast_in_dim3A_132 {strides = array<i32>} : memref<16384xf32, #tpu.memory_space<vmem>>, vector<16xf32>,
      %scan3A_509 = arith.constant 0 : i32
      scf.yield %scan3A_509 : i32
    }
    %scan3A_140 = arith.constant 1024 : i32
    %scan3A_141 = arith.constant 0 : i32
    %scan3A_142 = arith.constant 0 : i32
    %scan3A_143 = arith.constant 80 : i32
    %scan3A_144 = arith.addi %scan3A_142, %scan3A_143 : i32
    %scan3A_145 = arith.constant 1 : i32
    %scan3A_146 = scf.for %scan3A_503 = %scan3A_142 to %scan3A_144 step %scan3A_145 iter_args(%scan3A_504 = %scan3A_141) -> (i32)  : i32 {
      %mul3A_505 = arith.constant 16 : i32
      %mul3A_506 = arith.muli %scan3A_503, %mul3A_505 : i32
      %get3A_507 = arith.index_cast %mul3A_506 : i32 to index
      %get3A_508 = tpu.vector_load %arg7[%get3A_507] {strides = array<i32>} : memref<1536xi32, #tpu.memory_space<vmem>>, vector<16xi32>,
      %mul3A_509 = arith.constant 1024 : i32
      %mul3A_510 = vector.broadcast %mul3A_509 : i32 to vector<16xi32>
      %mul3A_511 = arith.muli %iota3A, %mul3A_510 : vector<16xi32>
      %max3A_512 = arith.constant 0 : i32
      %max3A_513 = vector.broadcast %max3A_512 : i32 to vector<16xi32>
      %max3A_514 = arith.maxsi %get3A_508, %max3A_513 : vector<16xi32>
      %add3A_515 = arith.addi %mul3A_511, %max3A_514 : vector<16xi32>
      %ge3A = arith.constant 0 : i32
      %ge3A_516 = vector.broadcast %ge3A : i32 to vector<16xi32>
      %ge3A_517 = arith.cmpi sge, %get3A_508, %ge3A_516 : vector<16xi32>
      tpu.vector_store_idx %arg9[%add3A_515], %broadcast_in_dim3A_134 masked %ge3A_517 {add = true} : memref<16384xf32, #tpu.memory_space<vmem>>[vector<16xi32>], vector<16xf32>, vector<16xi1>
      %scan3A_518 = arith.constant 0 : i32
      scf.yield %scan3A_518 : i32
    }
    %scan3A_147 = arith.constant 80 : i32
    %add3A_148 = arith.constant 0 : i32
    %add3A_149 = arith.addi %mul3A_2, %add3A_148 : i32
    %get3A = arith.index_cast %add3A_149 : i32 to index
    %get3A_150 = tpu.vector_load %arg7[%get3A] {strides = array<i32>} : memref<1536xi32, #tpu.memory_space<vmem>>, vector<16xi32>,
    %add3A_151 = arith.constant 0 : i32
    %add3A_152 = arith.addi %mul3A_2, %add3A_151 : i32
    %add3A_153 = vector.broadcast %add3A_152 : i32 to vector<16xi32>
    %add3A_154 = arith.addi %add3A_153, %iota3A : vector<16xi32>
    %max3A = arith.constant 0 : i32
    %max3A_155 = vector.broadcast %max3A : i32 to vector<16xi32>
    %max3A_156 = arith.maxsi %get3A_150, %max3A_155 : vector<16xi32>
    %min3A = arith.constant 1023 : i32
    %min3A_157 = vector.broadcast %min3A : i32 to vector<16xi32>
    %min3A_158 = arith.minsi %max3A_156, %min3A_157 : vector<16xi32>
    %add3A_159 = arith.constant 0 : i32
    %add3A_160 = vector.broadcast %add3A_159 : i32 to vector<16xi32>
    %add3A_161 = arith.addi %min3A_158, %add3A_160 : vector<16xi32>
    %gather3A = tpu.vector_load_idx %arg9[%add3A_161] : memref<16384xf32, #tpu.memory_space<vmem>>[vector<16xi32>], vector<16xf32>,
    %add3A_162 = arith.addf %broadcast_in_dim3A_132, %gather3A : vector<16xf32>
    %add3A_163 = arith.constant 1024 : i32
    %add3A_164 = vector.broadcast %add3A_163 : i32 to vector<16xi32>
    %add3A_165 = arith.addi %min3A_158, %add3A_164 : vector<16xi32>
    %gather3A_166 = tpu.vector_load_idx %arg9[%add3A_165] : memref<16384xf32, #tpu.memory_space<vmem>>[vector<16xi32>], vector<16xf32>,
    %add3A_167 = arith.addf %add3A_162, %gather3A_166 : vector<16xf32>
    %add3A_168 = arith.constant 2048 : i32
    %add3A_169 = vector.broadcast %add3A_168 : i32 to vector<16xi32>
    %add3A_170 = arith.addi %min3A_158, %add3A_169 : vector<16xi32>
    %gather3A_171 = tpu.vector_load_idx %arg9[%add3A_170] : memref<16384xf32, #tpu.memory_space<vmem>>[vector<16xi32>], vector<16xf32>,
    %add3A_172 = arith.addf %add3A_167, %gather3A_171 : vector<16xf32>
    %add3A_173 = arith.constant 3072 : i32
    %add3A_174 = vector.broadcast %add3A_173 : i32 to vector<16xi32>
    %add3A_175 = arith.addi %min3A_158, %add3A_174 : vector<16xi32>
    %gather3A_176 = tpu.vector_load_idx %arg9[%add3A_175] : memref<16384xf32, #tpu.memory_space<vmem>>[vector<16xi32>], vector<16xf32>,
    %add3A_177 = arith.addf %add3A_172, %gather3A_176 : vector<16xf32>
    %add3A_178 = arith.constant 4096 : i32
    %add3A_179 = vector.broadcast %add3A_178 : i32 to vector<16xi32>
    %add3A_180 = arith.addi %min3A_158, %add3A_179 : vector<16xi32>
    %gather3A_181 = tpu.vector_load_idx %arg9[%add3A_180] : memref<16384xf32, #tpu.memory_space<vmem>>[vector<16xi32>], vector<16xf32>,
    %add3A_182 = arith.addf %add3A_177, %gather3A_181 : vector<16xf32>
    %add3A_183 = arith.constant 5120 : i32
    %add3A_184 = vector.broadcast %add3A_183 : i32 to vector<16xi32>
    %add3A_185 = arith.addi %min3A_158, %add3A_184 : vector<16xi32>
    %gather3A_186 = tpu.vector_load_idx %arg9[%add3A_185] : memref<16384xf32, #tpu.memory_space<vmem>>[vector<16xi32>], vector<16xf32>,
    %add3A_187 = arith.addf %add3A_182, %gather3A_186 : vector<16xf32>
    %add3A_188 = arith.constant 6144 : i32
    %add3A_189 = vector.broadcast %add3A_188 : i32 to vector<16xi32>
    %add3A_190 = arith.addi %min3A_158, %add3A_189 : vector<16xi32>
    %gather3A_191 = tpu.vector_load_idx %arg9[%add3A_190] : memref<16384xf32, #tpu.memory_space<vmem>>[vector<16xi32>], vector<16xf32>,
    %add3A_192 = arith.addf %add3A_187, %gather3A_191 : vector<16xf32>
    %add3A_193 = arith.constant 7168 : i32
    %add3A_194 = vector.broadcast %add3A_193 : i32 to vector<16xi32>
    %add3A_195 = arith.addi %min3A_158, %add3A_194 : vector<16xi32>
    %gather3A_196 = tpu.vector_load_idx %arg9[%add3A_195] : memref<16384xf32, #tpu.memory_space<vmem>>[vector<16xi32>], vector<16xf32>,
    %add3A_197 = arith.addf %add3A_192, %gather3A_196 : vector<16xf32>
    %add3A_198 = arith.constant 8192 : i32
    %add3A_199 = vector.broadcast %add3A_198 : i32 to vector<16xi32>
    %add3A_200 = arith.addi %min3A_158, %add3A_199 : vector<16xi32>
    %gather3A_201 = tpu.vector_load_idx %arg9[%add3A_200] : memref<16384xf32, #tpu.memory_space<vmem>>[vector<16xi32>], vector<16xf32>,
    %add3A_202 = arith.addf %add3A_197, %gather3A_201 : vector<16xf32>
    %add3A_203 = arith.constant 9216 : i32
    %add3A_204 = vector.broadcast %add3A_203 : i32 to vector<16xi32>
    %add3A_205 = arith.addi %min3A_158, %add3A_204 : vector<16xi32>
    %gather3A_206 = tpu.vector_load_idx %arg9[%add3A_205] : memref<16384xf32, #tpu.memory_space<vmem>>[vector<16xi32>], vector<16xf32>,
    %add3A_207 = arith.addf %add3A_202, %gather3A_206 : vector<16xf32>
    %add3A_208 = arith.constant 10240 : i32
    %add3A_209 = vector.broadcast %add3A_208 : i32 to vector<16xi32>
    %add3A_210 = arith.addi %min3A_158, %add3A_209 : vector<16xi32>
    %gather3A_211 = tpu.vector_load_idx %arg9[%add3A_210] : memref<16384xf32, #tpu.memory_space<vmem>>[vector<16xi32>], vector<16xf32>,
    %add3A_212 = arith.addf %add3A_207, %gather3A_211 : vector<16xf32>
    %add3A_213 = arith.constant 11264 : i32
    %add3A_214 = vector.broadcast %add3A_213 : i32 to vector<16xi32>
    %add3A_215 = arith.addi %min3A_158, %add3A_214 : vector<16xi32>
    %gather3A_216 = tpu.vector_load_idx %arg9[%add3A_215] : memref<16384xf32, #tpu.memory_space<vmem>>[vector<16xi32>], vector<16xf32>,
    %add3A_217 = arith.addf %add3A_212, %gather3A_216 : vector<16xf32>
    %add3A_218 = arith.constant 12288 : i32
    %add3A_219 = vector.broadcast %add3A_218 : i32 to vector<16xi32>
    %add3A_220 = arith.addi %min3A_158, %add3A_219 : vector<16xi32>
    %gather3A_221 = tpu.vector_load_idx %arg9[%add3A_220] : memref<16384xf32, #tpu.memory_space<vmem>>[vector<16xi32>], vector<16xf32>,
    %add3A_222 = arith.addf %add3A_217, %gather3A_221 : vector<16xf32>
    %add3A_223 = arith.constant 13312 : i32
    %add3A_224 = vector.broadcast %add3A_223 : i32 to vector<16xi32>
    %add3A_225 = arith.addi %min3A_158, %add3A_224 : vector<16xi32>
    %gather3A_226 = tpu.vector_load_idx %arg9[%add3A_225] : memref<16384xf32, #tpu.memory_space<vmem>>[vector<16xi32>], vector<16xf32>,
    %add3A_227 = arith.addf %add3A_222, %gather3A_226 : vector<16xf32>
    %add3A_228 = arith.constant 14336 : i32
    %add3A_229 = vector.broadcast %add3A_228 : i32 to vector<16xi32>
    %add3A_230 = arith.addi %min3A_158, %add3A_229 : vector<16xi32>
    %gather3A_231 = tpu.vector_load_idx %arg9[%add3A_230] : memref<16384xf32, #tpu.memory_space<vmem>>[vector<16xi32>], vector<16xf32>,
    %add3A_232 = arith.addf %add3A_227, %gather3A_231 : vector<16xf32>
    %add3A_233 = arith.constant 15360 : i32
    %add3A_234 = vector.broadcast %add3A_233 : i32 to vector<16xi32>
    %add3A_235 = arith.addi %min3A_158, %add3A_234 : vector<16xi32>
    %gather3A_236 = tpu.vector_load_idx %arg9[%add3A_235] : memref<16384xf32, #tpu.memory_space<vmem>>[vector<16xi32>], vector<16xf32>,
    %add3A_237 = arith.addf %add3A_232, %gather3A_236 : vector<16xf32>
    %lt3A = arith.constant 1256 : i32
    %lt3A_238 = vector.broadcast %lt3A : i32 to vector<16xi32>
    %lt3A_239 = arith.cmpi slt, %add3A_154, %lt3A_238 : vector<16xi32>
    %jit3A = arith.constant 0.000000e+00 : f32
    %broadcast_in_dim3A_240 = vector.broadcast %jit3A : f32 to vector<16xf32>
    %select_n3A = arith.select %lt3A_239, %add3A_237, %broadcast_in_dim3A_240 : vector<16xi1>, vector<16xf32>
    %reduce_max3A = arith.constant true
    %reduce_max3A_241 = vector.broadcast %reduce_max3A : i1 to vector<16xi1>
    %reduce_max3A_242 = tpu.scan <max>, %select_n3A masked %reduce_max3A_241 : vector<16xf32>, vector<16xi1> -> vector<16xf32>
    %reduce_max3A_243 = vector.extract %reduce_max3A_242[15] : f32 from vector<16xf32>
    %gt3A = arith.constant 1.000000e+02 : f32
    %gt3A_244 = arith.cmpf ogt, %reduce_max3A_243, %gt3A : f32
    %or3A = arith.constant false
    %or3A_245 = arith.ori %or3A, %gt3A_244 : i1
    %add3A_246 = arith.constant 16 : i32
    %add3A_247 = arith.addi %mul3A_2, %add3A_246 : i32
    %get3A_248 = arith.index_cast %add3A_247 : i32 to index
    %get3A_249 = tpu.vector_load %arg7[%get3A_248] {strides = array<i32>} : memref<1536xi32, #tpu.memory_space<vmem>>, vector<16xi32>,
    %add3A_250 = arith.constant 16 : i32
    %add3A_251 = arith.addi %mul3A_2, %add3A_250 : i32
    %add3A_252 = vector.broadcast %add3A_251 : i32 to vector<16xi32>
    %add3A_253 = arith.addi %add3A_252, %iota3A : vector<16xi32>
    %max3A_254 = arith.constant 0 : i32
    %max3A_255 = vector.broadcast %max3A_254 : i32 to vector<16xi32>
    %max3A_256 = arith.maxsi %get3A_249, %max3A_255 : vector<16xi32>
    %min3A_257 = arith.constant 1023 : i32
    %min3A_258 = vector.broadcast %min3A_257 : i32 to vector<16xi32>
    %min3A_259 = arith.minsi %max3A_256, %min3A_258 : vector<16xi32>
    %add3A_260 = arith.constant 0 : i32
    %add3A_261 = vector.broadcast %add3A_260 : i32 to vector<16xi32>
    %add3A_262 = arith.addi %min3A_259, %add3A_261 : vector<16xi32>
    %gather3A_263 = tpu.vector_load_idx %arg9[%add3A_262] : memref<16384xf32, #tpu.memory_space<vmem>>[vector<16xi32>], vector<16xf32>,
    %add3A_264 = arith.addf %broadcast_in_dim3A_132, %gather3A_263 : vector<16xf32>
    %add3A_265 = arith.constant 1024 : i32
    %add3A_266 = vector.broadcast %add3A_265 : i32 to vector<16xi32>
    %add3A_267 = arith.addi %min3A_259, %add3A_266 : vector<16xi32>
    %gather3A_268 = tpu.vector_load_idx %arg9[%add3A_267] : memref<16384xf32, #tpu.memory_space<vmem>>[vector<16xi32>], vector<16xf32>,
    %add3A_269 = arith.addf %add3A_264, %gather3A_268 : vector<16xf32>
    %add3A_270 = arith.constant 2048 : i32
    %add3A_271 = vector.broadcast %add3A_270 : i32 to vector<16xi32>
    %add3A_272 = arith.addi %min3A_259, %add3A_271 : vector<16xi32>
    %gather3A_273 = tpu.vector_load_idx %arg9[%add3A_272] : memref<16384xf32, #tpu.memory_space<vmem>>[vector<16xi32>], vector<16xf32>,
    %add3A_274 = arith.addf %add3A_269, %gather3A_273 : vector<16xf32>
    %add3A_275 = arith.constant 3072 : i32
    %add3A_276 = vector.broadcast %add3A_275 : i32 to vector<16xi32>
    %add3A_277 = arith.addi %min3A_259, %add3A_276 : vector<16xi32>
    %gather3A_278 = tpu.vector_load_idx %arg9[%add3A_277] : memref<16384xf32, #tpu.memory_space<vmem>>[vector<16xi32>], vector<16xf32>,
    %add3A_279 = arith.addf %add3A_274, %gather3A_278 : vector<16xf32>
    %add3A_280 = arith.constant 4096 : i32
    %add3A_281 = vector.broadcast %add3A_280 : i32 to vector<16xi32>
    %add3A_282 = arith.addi %min3A_259, %add3A_281 : vector<16xi32>
    %gather3A_283 = tpu.vector_load_idx %arg9[%add3A_282] : memref<16384xf32, #tpu.memory_space<vmem>>[vector<16xi32>], vector<16xf32>,
    %add3A_284 = arith.addf %add3A_279, %gather3A_283 : vector<16xf32>
    %add3A_285 = arith.constant 5120 : i32
    %add3A_286 = vector.broadcast %add3A_285 : i32 to vector<16xi32>
    %add3A_287 = arith.addi %min3A_259, %add3A_286 : vector<16xi32>
    %gather3A_288 = tpu.vector_load_idx %arg9[%add3A_287] : memref<16384xf32, #tpu.memory_space<vmem>>[vector<16xi32>], vector<16xf32>,
    %add3A_289 = arith.addf %add3A_284, %gather3A_288 : vector<16xf32>
    %add3A_290 = arith.constant 6144 : i32
    %add3A_291 = vector.broadcast %add3A_290 : i32 to vector<16xi32>
    %add3A_292 = arith.addi %min3A_259, %add3A_291 : vector<16xi32>
    %gather3A_293 = tpu.vector_load_idx %arg9[%add3A_292] : memref<16384xf32, #tpu.memory_space<vmem>>[vector<16xi32>], vector<16xf32>,
    %add3A_294 = arith.addf %add3A_289, %gather3A_293 : vector<16xf32>
    %add3A_295 = arith.constant 7168 : i32
    %add3A_296 = vector.broadcast %add3A_295 : i32 to vector<16xi32>
    %add3A_297 = arith.addi %min3A_259, %add3A_296 : vector<16xi32>
    %gather3A_298 = tpu.vector_load_idx %arg9[%add3A_297] : memref<16384xf32, #tpu.memory_space<vmem>>[vector<16xi32>], vector<16xf32>,
    %add3A_299 = arith.addf %add3A_294, %gather3A_298 : vector<16xf32>
    %add3A_300 = arith.constant 8192 : i32
    %add3A_301 = vector.broadcast %add3A_300 : i32 to vector<16xi32>
    %add3A_302 = arith.addi %min3A_259, %add3A_301 : vector<16xi32>
    %gather3A_303 = tpu.vector_load_idx %arg9[%add3A_302] : memref<16384xf32, #tpu.memory_space<vmem>>[vector<16xi32>], vector<16xf32>,
    %add3A_304 = arith.addf %add3A_299, %gather3A_303 : vector<16xf32>
    %add3A_305 = arith.constant 9216 : i32
    %add3A_306 = vector.broadcast %add3A_305 : i32 to vector<16xi32>
    %add3A_307 = arith.addi %min3A_259, %add3A_306 : vector<16xi32>
    %gather3A_308 = tpu.vector_load_idx %arg9[%add3A_307] : memref<16384xf32, #tpu.memory_space<vmem>>[vector<16xi32>], vector<16xf32>,
    %add3A_309 = arith.addf %add3A_304, %gather3A_308 : vector<16xf32>
    %add3A_310 = arith.constant 10240 : i32
    %add3A_311 = vector.broadcast %add3A_310 : i32 to vector<16xi32>
    %add3A_312 = arith.addi %min3A_259, %add3A_311 : vector<16xi32>
    %gather3A_313 = tpu.vector_load_idx %arg9[%add3A_312] : memref<16384xf32, #tpu.memory_space<vmem>>[vector<16xi32>], vector<16xf32>,
    %add3A_314 = arith.addf %add3A_309, %gather3A_313 : vector<16xf32>
    %add3A_315 = arith.constant 11264 : i32
    %add3A_316 = vector.broadcast %add3A_315 : i32 to vector<16xi32>
    %add3A_317 = arith.addi %min3A_259, %add3A_316 : vector<16xi32>
    %gather3A_318 = tpu.vector_load_idx %arg9[%add3A_317] : memref<16384xf32, #tpu.memory_space<vmem>>[vector<16xi32>], vector<16xf32>,
    %add3A_319 = arith.addf %add3A_314, %gather3A_318 : vector<16xf32>
    %add3A_320 = arith.constant 12288 : i32
    %add3A_321 = vector.broadcast %add3A_320 : i32 to vector<16xi32>
    %add3A_322 = arith.addi %min3A_259, %add3A_321 : vector<16xi32>
    %gather3A_323 = tpu.vector_load_idx %arg9[%add3A_322] : memref<16384xf32, #tpu.memory_space<vmem>>[vector<16xi32>], vector<16xf32>,
    %add3A_324 = arith.addf %add3A_319, %gather3A_323 : vector<16xf32>
    %add3A_325 = arith.constant 13312 : i32
    %add3A_326 = vector.broadcast %add3A_325 : i32 to vector<16xi32>
    %add3A_327 = arith.addi %min3A_259, %add3A_326 : vector<16xi32>
    %gather3A_328 = tpu.vector_load_idx %arg9[%add3A_327] : memref<16384xf32, #tpu.memory_space<vmem>>[vector<16xi32>], vector<16xf32>,
    %add3A_329 = arith.addf %add3A_324, %gather3A_328 : vector<16xf32>
    %add3A_330 = arith.constant 14336 : i32
    %add3A_331 = vector.broadcast %add3A_330 : i32 to vector<16xi32>
    %add3A_332 = arith.addi %min3A_259, %add3A_331 : vector<16xi32>
    %gather3A_333 = tpu.vector_load_idx %arg9[%add3A_332] : memref<16384xf32, #tpu.memory_space<vmem>>[vector<16xi32>], vector<16xf32>,
    %add3A_334 = arith.addf %add3A_329, %gather3A_333 : vector<16xf32>
    %add3A_335 = arith.constant 15360 : i32
    %add3A_336 = vector.broadcast %add3A_335 : i32 to vector<16xi32>
    %add3A_337 = arith.addi %min3A_259, %add3A_336 : vector<16xi32>
    %gather3A_338 = tpu.vector_load_idx %arg9[%add3A_337] : memref<16384xf32, #tpu.memory_space<vmem>>[vector<16xi32>], vector<16xf32>,
    %add3A_339 = arith.addf %add3A_334, %gather3A_338 : vector<16xf32>
    %lt3A_340 = arith.constant 1256 : i32
    %lt3A_341 = vector.broadcast %lt3A_340 : i32 to vector<16xi32>
    %lt3A_342 = arith.cmpi slt, %add3A_253, %lt3A_341 : vector<16xi32>
    %jit3A_343 = arith.constant 0.000000e+00 : f32
    %broadcast_in_dim3A_344 = vector.broadcast %jit3A_343 : f32 to vector<16xf32>
    %select_n3A_345 = arith.select %lt3A_342, %add3A_339, %broadcast_in_dim3A_344 : vector<16xi1>, vector<16xf32>
    %reduce_max3A_346 = arith.constant true
    %reduce_max3A_347 = vector.broadcast %reduce_max3A_346 : i1 to vector<16xi1>
    %reduce_max3A_348 = tpu.scan <max>, %select_n3A_345 masked %reduce_max3A_347 : vector<16xf32>, vector<16xi1> -> vector<16xf32>
    %reduce_max3A_349 = vector.extract %reduce_max3A_348[15] : f32 from vector<16xf32>
    %gt3A_350 = arith.constant 1.000000e+02 : f32
    %gt3A_351 = arith.cmpf ogt, %reduce_max3A_349, %gt3A_350 : f32
    %or3A_352 = arith.ori %or3A_245, %gt3A_351 : i1
    %add3A_353 = arith.constant 32 : i32
    %add3A_354 = arith.addi %mul3A_2, %add3A_353 : i32
    %get3A_355 = arith.index_cast %add3A_354 : i32 to index
    %get3A_356 = tpu.vector_load %arg7[%get3A_355] {strides = array<i32>} : memref<1536xi32, #tpu.memory_space<vmem>>, vector<16xi32>,
    %add3A_357 = arith.constant 32 : i32
    %add3A_358 = arith.addi %mul3A_2, %add3A_357 : i32
    %add3A_359 = vector.broadcast %add3A_358 : i32 to vector<16xi32>
    %add3A_360 = arith.addi %add3A_359, %iota3A : vector<16xi32>
    %max3A_361 = arith.constant 0 : i32
    %max3A_362 = vector.broadcast %max3A_361 : i32 to vector<16xi32>
    %max3A_363 = arith.maxsi %get3A_356, %max3A_362 : vector<16xi32>
    %min3A_364 = arith.constant 1023 : i32
    %min3A_365 = vector.broadcast %min3A_364 : i32 to vector<16xi32>
    %min3A_366 = arith.minsi %max3A_363, %min3A_365 : vector<16xi32>
    %add3A_367 = arith.constant 0 : i32
    %add3A_368 = vector.broadcast %add3A_367 : i32 to vector<16xi32>
    %add3A_369 = arith.addi %min3A_366, %add3A_368 : vector<16xi32>
    %gather3A_370 = tpu.vector_load_idx %arg9[%add3A_369] : memref<16384xf32, #tpu.memory_space<vmem>>[vector<16xi32>], vector<16xf32>,
    %add3A_371 = arith.addf %broadcast_in_dim3A_132, %gather3A_370 : vector<16xf32>
    %add3A_372 = arith.constant 1024 : i32
    %add3A_373 = vector.broadcast %add3A_372 : i32 to vector<16xi32>
    %add3A_374 = arith.addi %min3A_366, %add3A_373 : vector<16xi32>
    %gather3A_375 = tpu.vector_load_idx %arg9[%add3A_374] : memref<16384xf32, #tpu.memory_space<vmem>>[vector<16xi32>], vector<16xf32>,
    %add3A_376 = arith.addf %add3A_371, %gather3A_375 : vector<16xf32>
    %add3A_377 = arith.constant 2048 : i32
    %add3A_378 = vector.broadcast %add3A_377 : i32 to vector<16xi32>
    %add3A_379 = arith.addi %min3A_366, %add3A_378 : vector<16xi32>
    %gather3A_380 = tpu.vector_load_idx %arg9[%add3A_379] : memref<16384xf32, #tpu.memory_space<vmem>>[vector<16xi32>], vector<16xf32>,
    %add3A_381 = arith.addf %add3A_376, %gather3A_380 : vector<16xf32>
    %add3A_382 = arith.constant 3072 : i32
    %add3A_383 = vector.broadcast %add3A_382 : i32 to vector<16xi32>
    %add3A_384 = arith.addi %min3A_366, %add3A_383 : vector<16xi32>
    %gather3A_385 = tpu.vector_load_idx %arg9[%add3A_384] : memref<16384xf32, #tpu.memory_space<vmem>>[vector<16xi32>], vector<16xf32>,
    %add3A_386 = arith.addf %add3A_381, %gather3A_385 : vector<16xf32>
    %add3A_387 = arith.constant 4096 : i32
    %add3A_388 = vector.broadcast %add3A_387 : i32 to vector<16xi32>
    %add3A_389 = arith.addi %min3A_366, %add3A_388 : vector<16xi32>
    %gather3A_390 = tpu.vector_load_idx %arg9[%add3A_389] : memref<16384xf32, #tpu.memory_space<vmem>>[vector<16xi32>], vector<16xf32>,
    %add3A_391 = arith.addf %add3A_386, %gather3A_390 : vector<16xf32>
    %add3A_392 = arith.constant 5120 : i32
    %add3A_393 = vector.broadcast %add3A_392 : i32 to vector<16xi32>
    %add3A_394 = arith.addi %min3A_366, %add3A_393 : vector<16xi32>
    %gather3A_395 = tpu.vector_load_idx %arg9[%add3A_394] : memref<16384xf32, #tpu.memory_space<vmem>>[vector<16xi32>], vector<16xf32>,
    %add3A_396 = arith.addf %add3A_391, %gather3A_395 : vector<16xf32>
    %add3A_397 = arith.constant 6144 : i32
    %add3A_398 = vector.broadcast %add3A_397 : i32 to vector<16xi32>
    %add3A_399 = arith.addi %min3A_366, %add3A_398 : vector<16xi32>
    %gather3A_400 = tpu.vector_load_idx %arg9[%add3A_399] : memref<16384xf32, #tpu.memory_space<vmem>>[vector<16xi32>], vector<16xf32>,
    %add3A_401 = arith.addf %add3A_396, %gather3A_400 : vector<16xf32>
    %add3A_402 = arith.constant 7168 : i32
    %add3A_403 = vector.broadcast %add3A_402 : i32 to vector<16xi32>
    %add3A_404 = arith.addi %min3A_366, %add3A_403 : vector<16xi32>
    %gather3A_405 = tpu.vector_load_idx %arg9[%add3A_404] : memref<16384xf32, #tpu.memory_space<vmem>>[vector<16xi32>], vector<16xf32>,
    %add3A_406 = arith.addf %add3A_401, %gather3A_405 : vector<16xf32>
    %add3A_407 = arith.constant 8192 : i32
    %add3A_408 = vector.broadcast %add3A_407 : i32 to vector<16xi32>
    %add3A_409 = arith.addi %min3A_366, %add3A_408 : vector<16xi32>
    %gather3A_410 = tpu.vector_load_idx %arg9[%add3A_409] : memref<16384xf32, #tpu.memory_space<vmem>>[vector<16xi32>], vector<16xf32>,
    %add3A_411 = arith.addf %add3A_406, %gather3A_410 : vector<16xf32>
    %add3A_412 = arith.constant 9216 : i32
    %add3A_413 = vector.broadcast %add3A_412 : i32 to vector<16xi32>
    %add3A_414 = arith.addi %min3A_366, %add3A_413 : vector<16xi32>
    %gather3A_415 = tpu.vector_load_idx %arg9[%add3A_414] : memref<16384xf32, #tpu.memory_space<vmem>>[vector<16xi32>], vector<16xf32>,
    %add3A_416 = arith.addf %add3A_411, %gather3A_415 : vector<16xf32>
    %add3A_417 = arith.constant 10240 : i32
    %add3A_418 = vector.broadcast %add3A_417 : i32 to vector<16xi32>
    %add3A_419 = arith.addi %min3A_366, %add3A_418 : vector<16xi32>
    %gather3A_420 = tpu.vector_load_idx %arg9[%add3A_419] : memref<16384xf32, #tpu.memory_space<vmem>>[vector<16xi32>], vector<16xf32>,
    %add3A_421 = arith.addf %add3A_416, %gather3A_420 : vector<16xf32>
    %add3A_422 = arith.constant 11264 : i32
    %add3A_423 = vector.broadcast %add3A_422 : i32 to vector<16xi32>
    %add3A_424 = arith.addi %min3A_366, %add3A_423 : vector<16xi32>
    %gather3A_425 = tpu.vector_load_idx %arg9[%add3A_424] : memref<16384xf32, #tpu.memory_space<vmem>>[vector<16xi32>], vector<16xf32>,
    %add3A_426 = arith.addf %add3A_421, %gather3A_425 : vector<16xf32>
    %add3A_427 = arith.constant 12288 : i32
    %add3A_428 = vector.broadcast %add3A_427 : i32 to vector<16xi32>
    %add3A_429 = arith.addi %min3A_366, %add3A_428 : vector<16xi32>
    %gather3A_430 = tpu.vector_load_idx %arg9[%add3A_429] : memref<16384xf32, #tpu.memory_space<vmem>>[vector<16xi32>], vector<16xf32>,
    %add3A_431 = arith.addf %add3A_426, %gather3A_430 : vector<16xf32>
    %add3A_432 = arith.constant 13312 : i32
    %add3A_433 = vector.broadcast %add3A_432 : i32 to vector<16xi32>
    %add3A_434 = arith.addi %min3A_366, %add3A_433 : vector<16xi32>
    %gather3A_435 = tpu.vector_load_idx %arg9[%add3A_434] : memref<16384xf32, #tpu.memory_space<vmem>>[vector<16xi32>], vector<16xf32>,
    %add3A_436 = arith.addf %add3A_431, %gather3A_435 : vector<16xf32>
    %add3A_437 = arith.constant 14336 : i32
    %add3A_438 = vector.broadcast %add3A_437 : i32 to vector<16xi32>
    %add3A_439 = arith.addi %min3A_366, %add3A_438 : vector<16xi32>
    %gather3A_440 = tpu.vector_load_idx %arg9[%add3A_439] : memref<16384xf32, #tpu.memory_space<vmem>>[vector<16xi32>], vector<16xf32>,
    %add3A_441 = arith.addf %add3A_436, %gather3A_440 : vector<16xf32>
    %add3A_442 = arith.constant 15360 : i32
    %add3A_443 = vector.broadcast %add3A_442 : i32 to vector<16xi32>
    %add3A_444 = arith.addi %min3A_366, %add3A_443 : vector<16xi32>
    %gather3A_445 = tpu.vector_load_idx %arg9[%add3A_444] : memref<16384xf32, #tpu.memory_space<vmem>>[vector<16xi32>], vector<16xf32>,
    %add3A_446 = arith.addf %add3A_441, %gather3A_445 : vector<16xf32>
    %lt3A_447 = arith.constant 1256 : i32
    %lt3A_448 = vector.broadcast %lt3A_447 : i32 to vector<16xi32>
    %lt3A_449 = arith.cmpi slt, %add3A_360, %lt3A_448 : vector<16xi32>
    %jit3A_450 = arith.constant 0.000000e+00 : f32
    %broadcast_in_dim3A_451 = vector.broadcast %jit3A_450 : f32 to vector<16xf32>
    %select_n3A_452 = arith.select %lt3A_449, %add3A_446, %broadcast_in_dim3A_451 : vector<16xi1>, vector<16xf32>
    %reduce_max3A_453 = arith.constant true
    %reduce_max3A_454 = vector.broadcast %reduce_max3A_453 : i1 to vector<16xi1>
    %reduce_max3A_455 = tpu.scan <max>, %select_n3A_452 masked %reduce_max3A_454 : vector<16xf32>, vector<16xi1> -> vector<16xf32>
    %reduce_max3A_456 = vector.extract %reduce_max3A_455[15] : f32 from vector<16xf32>
    %gt3A_457 = arith.constant 1.000000e+02 : f32
    %gt3A_458 = arith.cmpf ogt, %reduce_max3A_456, %gt3A_457 : f32
    %or3A_459 = arith.ori %or3A_352, %gt3A_458 : i1
    %convert_element_type3A = arith.extui %or3A_459 : i1 to i32
    %cond3A = arith.constant 0 : i32
    %cond3A_460 = arith.cmpi ne, %convert_element_type3A, %cond3A : i32
    %cond3A_461:3 = scf.if %cond3A_460 -> (vector<16xi32>, vector<16xi32>, vector<16xi32>) {
      %add3A_503 = arith.constant 0 : i32
      %add3A_504 = arith.addi %mul3A_2, %add3A_503 : i32
      %get3A_505 = arith.index_cast %add3A_504 : i32 to index
      %get3A_506 = tpu.vector_load %arg6[%get3A_505] {strides = array<i32>} : memref<1536xf32, #tpu.memory_space<vmem>>, vector<16xf32>,
      %scan3A_507 = arith.constant 0 : i32
      %scan3A_508 = arith.constant 1256 : i32
      %scan3A_509 = arith.addi %scan3A_507, %scan3A_508 : i32
      %scan3A_510 = arith.constant 1 : i32
      %scan3A_511 = scf.for %scan3A_557 = %scan3A_507 to %scan3A_509 step %scan3A_510 iter_args(%scan3A_558 = %broadcast_in_dim3A_130) -> (vector<16xi32>)  : i32 {
        %broadcast_in_dim3A_559 = vector.broadcast %scan3A_557 : i32 to vector<16xi32>
        %gather3A_560 = tpu.vector_load_idx %arg6[%broadcast_in_dim3A_559] : memref<1536xf32, #tpu.memory_space<vmem>>[vector<16xi32>], vector<16xf32>,
        %gather3A_561 = tpu.vector_load_idx %arg7[%broadcast_in_dim3A_559] : memref<1536xi32, #tpu.memory_space<vmem>>[vector<16xi32>], vector<16xi32>,
        %eq3A = arith.cmpi eq, %gather3A_561, %get3A_150 : vector<16xi32>
        %lt3A_562 = arith.cmpf olt, %gather3A_560, %get3A_506 : vector<16xf32>
        %eq3A_563 = arith.cmpf oeq, %gather3A_560, %get3A_506 : vector<16xf32>
        %lt3A_564 = arith.cmpi slt, %broadcast_in_dim3A_559, %add3A_154 : vector<16xi32>
        %and3A_565 = arith.andi %eq3A_563, %lt3A_564 : vector<16xi1>
        %or3A_566 = arith.ori %lt3A_562, %and3A_565 : vector<16xi1>
        %and3A_567 = arith.andi %eq3A, %or3A_566 : vector<16xi1>
        %jit3A_568 = arith.constant 1 : i32
        %jit3A_569 = arith.constant 0 : i32
        %broadcast_in_dim3A_570 = vector.broadcast %jit3A_568 : i32 to vector<16xi32>
        %broadcast_in_dim3A_571 = vector.broadcast %jit3A_569 : i32 to vector<16xi32>
        %select_n3A_572 = arith.select %and3A_567, %broadcast_in_dim3A_570, %broadcast_in_dim3A_571 : vector<16xi1>, vector<16xi32>
        %add3A_573 = arith.addi %scan3A_558, %select_n3A_572 : vector<16xi32>
        scf.yield %add3A_573 : vector<16xi32>
      }
      %scan3A_512 = arith.constant 1256 : i32
      %lt3A_513 = arith.constant 100 : i32
      %lt3A_514 = vector.broadcast %lt3A_513 : i32 to vector<16xi32>
      %lt3A_515 = arith.cmpi slt, %scan3A_511, %lt3A_514 : vector<16xi32>
      %jit3A_516 = arith.constant 1 : i32
      %jit3A_517 = arith.constant 0 : i32
      %broadcast_in_dim3A_518 = vector.broadcast %jit3A_516 : i32 to vector<16xi32>
      %broadcast_in_dim3A_519 = vector.broadcast %jit3A_517 : i32 to vector<16xi32>
      %select_n3A_520 = arith.select %lt3A_515, %broadcast_in_dim3A_518, %broadcast_in_dim3A_519 : vector<16xi1>, vector<16xi32>
      %add3A_521 = arith.constant 16 : i32
      %add3A_522 = arith.addi %mul3A_2, %add3A_521 : i32
      %get3A_523 = arith.index_cast %add3A_522 : i32 to index
      %get3A_524 = tpu.vector_load %arg6[%get3A_523] {strides = array<i32>} : memref<1536xf32, #tpu.memory_space<vmem>>, vector<16xf32>,
      %scan3A_525 = arith.constant 0 : i32
      %scan3A_526 = arith.constant 1256 : i32
      %scan3A_527 = arith.addi %scan3A_525, %scan3A_526 : i32
      %scan3A_528 = arith.constant 1 : i32
      %scan3A_529 = scf.for %scan3A_557 = %scan3A_525 to %scan3A_527 step %scan3A_528 iter_args(%scan3A_558 = %broadcast_in_dim3A_130) -> (vector<16xi32>)  : i32 {
        %broadcast_in_dim3A_559 = vector.broadcast %scan3A_557 : i32 to vector<16xi32>
        %gather3A_560 = tpu.vector_load_idx %arg6[%broadcast_in_dim3A_559] : memref<1536xf32, #tpu.memory_space<vmem>>[vector<16xi32>], vector<16xf32>,
        %gather3A_561 = tpu.vector_load_idx %arg7[%broadcast_in_dim3A_559] : memref<1536xi32, #tpu.memory_space<vmem>>[vector<16xi32>], vector<16xi32>,
        %eq3A = arith.cmpi eq, %gather3A_561, %get3A_249 : vector<16xi32>
        %lt3A_562 = arith.cmpf olt, %gather3A_560, %get3A_524 : vector<16xf32>
        %eq3A_563 = arith.cmpf oeq, %gather3A_560, %get3A_524 : vector<16xf32>
        %lt3A_564 = arith.cmpi slt, %broadcast_in_dim3A_559, %add3A_253 : vector<16xi32>
        %and3A_565 = arith.andi %eq3A_563, %lt3A_564 : vector<16xi1>
        %or3A_566 = arith.ori %lt3A_562, %and3A_565 : vector<16xi1>
        %and3A_567 = arith.andi %eq3A, %or3A_566 : vector<16xi1>
        %jit3A_568 = arith.constant 1 : i32
        %jit3A_569 = arith.constant 0 : i32
        %broadcast_in_dim3A_570 = vector.broadcast %jit3A_568 : i32 to vector<16xi32>
        %broadcast_in_dim3A_571 = vector.broadcast %jit3A_569 : i32 to vector<16xi32>
        %select_n3A_572 = arith.select %and3A_567, %broadcast_in_dim3A_570, %broadcast_in_dim3A_571 : vector<16xi1>, vector<16xi32>
        %add3A_573 = arith.addi %scan3A_558, %select_n3A_572 : vector<16xi32>
        scf.yield %add3A_573 : vector<16xi32>
      }
      %scan3A_530 = arith.constant 1256 : i32
      %lt3A_531 = arith.constant 100 : i32
      %lt3A_532 = vector.broadcast %lt3A_531 : i32 to vector<16xi32>
      %lt3A_533 = arith.cmpi slt, %scan3A_529, %lt3A_532 : vector<16xi32>
      %jit3A_534 = arith.constant 1 : i32
      %jit3A_535 = arith.constant 0 : i32
      %broadcast_in_dim3A_536 = vector.broadcast %jit3A_534 : i32 to vector<16xi32>
      %broadcast_in_dim3A_537 = vector.broadcast %jit3A_535 : i32 to vector<16xi32>
      %select_n3A_538 = arith.select %lt3A_533, %broadcast_in_dim3A_536, %broadcast_in_dim3A_537 : vector<16xi1>, vector<16xi32>
      %add3A_539 = arith.constant 32 : i32
      %add3A_540 = arith.addi %mul3A_2, %add3A_539 : i32
      %get3A_541 = arith.index_cast %add3A_540 : i32 to index
      %get3A_542 = tpu.vector_load %arg6[%get3A_541] {strides = array<i32>} : memref<1536xf32, #tpu.memory_space<vmem>>, vector<16xf32>,
      %scan3A_543 = arith.constant 0 : i32
      %scan3A_544 = arith.constant 1256 : i32
      %scan3A_545 = arith.addi %scan3A_543, %scan3A_544 : i32
      %scan3A_546 = arith.constant 1 : i32
      %scan3A_547 = scf.for %scan3A_557 = %scan3A_543 to %scan3A_545 step %scan3A_546 iter_args(%scan3A_558 = %broadcast_in_dim3A_130) -> (vector<16xi32>)  : i32 {
        %broadcast_in_dim3A_559 = vector.broadcast %scan3A_557 : i32 to vector<16xi32>
        %gather3A_560 = tpu.vector_load_idx %arg6[%broadcast_in_dim3A_559] : memref<1536xf32, #tpu.memory_space<vmem>>[vector<16xi32>], vector<16xf32>,
        %gather3A_561 = tpu.vector_load_idx %arg7[%broadcast_in_dim3A_559] : memref<1536xi32, #tpu.memory_space<vmem>>[vector<16xi32>], vector<16xi32>,
        %eq3A = arith.cmpi eq, %gather3A_561, %get3A_356 : vector<16xi32>
        %lt3A_562 = arith.cmpf olt, %gather3A_560, %get3A_542 : vector<16xf32>
        %eq3A_563 = arith.cmpf oeq, %gather3A_560, %get3A_542 : vector<16xf32>
        %lt3A_564 = arith.cmpi slt, %broadcast_in_dim3A_559, %add3A_360 : vector<16xi32>
        %and3A_565 = arith.andi %eq3A_563, %lt3A_564 : vector<16xi1>
        %or3A_566 = arith.ori %lt3A_562, %and3A_565 : vector<16xi1>
        %and3A_567 = arith.andi %eq3A, %or3A_566 : vector<16xi1>
        %jit3A_568 = arith.constant 1 : i32
        %jit3A_569 = arith.constant 0 : i32
        %broadcast_in_dim3A_570 = vector.broadcast %jit3A_568 : i32 to vector<16xi32>
        %broadcast_in_dim3A_571 = vector.broadcast %jit3A_569 : i32 to vector<16xi32>
        %select_n3A_572 = arith.select %and3A_567, %broadcast_in_dim3A_570, %broadcast_in_dim3A_571 : vector<16xi1>, vector<16xi32>
        %add3A_573 = arith.addi %scan3A_558, %select_n3A_572 : vector<16xi32>
        scf.yield %add3A_573 : vector<16xi32>
      }
      %scan3A_548 = arith.constant 1256 : i32
      %lt3A_549 = arith.constant 100 : i32
      %lt3A_550 = vector.broadcast %lt3A_549 : i32 to vector<16xi32>
      %lt3A_551 = arith.cmpi slt, %scan3A_547, %lt3A_550 : vector<16xi32>
      %jit3A_552 = arith.constant 1 : i32
      %jit3A_553 = arith.constant 0 : i32
      %broadcast_in_dim3A_554 = vector.broadcast %jit3A_552 : i32 to vector<16xi32>
      %broadcast_in_dim3A_555 = vector.broadcast %jit3A_553 : i32 to vector<16xi32>
      %select_n3A_556 = arith.select %lt3A_551, %broadcast_in_dim3A_554, %broadcast_in_dim3A_555 : vector<16xi1>, vector<16xi32>
      scf.yield %select_n3A_520, %select_n3A_538, %select_n3A_556 : vector<16xi32>, vector<16xi32>, vector<16xi32>
    } else {
      %broadcast_in_dim3A_503 = arith.constant 1 : i32
      %broadcast_in_dim3A_504 = vector.broadcast %broadcast_in_dim3A_503 : i32 to vector<16xi32>
      scf.yield %broadcast_in_dim3A_504, %broadcast_in_dim3A_504, %broadcast_in_dim3A_504 : vector<16xi32>, vector<16xi32>, vector<16xi32>
    }
    %get3A_462 = arith.constant 0 : index
    %get3A_463 = tpu.vector_load %arg8[%get3A_462] {strides = array<i32>} : memref<48xf32, #tpu.memory_space<vmem>>, vector<16xf32>,
    %gt3A_464 = arith.constant 0 : i32
    %gt3A_465 = vector.broadcast %gt3A_464 : i32 to vector<16xi32>
    %gt3A_466 = arith.cmpi sgt, %cond3A_461#0, %gt3A_465 : vector<16xi32>
    %lt3A_467 = arith.constant 1256 : i32
    %lt3A_468 = vector.broadcast %lt3A_467 : i32 to vector<16xi32>
    %lt3A_469 = arith.cmpi slt, %add3A_154, %lt3A_468 : vector<16xi32>
    %and3A = arith.andi %gt3A_466, %lt3A_469 : vector<16xi1>
    %jit3A_470 = arith.constant 0.000000e+00 : f32
    %broadcast_in_dim3A_471 = vector.broadcast %jit3A_470 : f32 to vector<16xf32>
    %select_n3A_472 = arith.select %and3A, %get3A_463, %broadcast_in_dim3A_471 : vector<16xi1>, vector<16xf32>
    %swap3A_473 = arith.constant 0 : index
    %swap3A_474 = tpu.vector_load %arg10[%swap3A_473] {strides = array<i32>} : memref<48xf32, #tpu.memory_space<vmem>>, vector<16xf32>,
    tpu.vector_store %arg10[%swap3A_473], %select_n3A_472 {strides = array<i32>} : memref<48xf32, #tpu.memory_space<vmem>>, vector<16xf32>,
    %get3A_475 = arith.constant 16 : index
    %get3A_476 = tpu.vector_load %arg8[%get3A_475] {strides = array<i32>} : memref<48xf32, #tpu.memory_space<vmem>>, vector<16xf32>,
    %gt3A_477 = arith.constant 0 : i32
    %gt3A_478 = vector.broadcast %gt3A_477 : i32 to vector<16xi32>
    %gt3A_479 = arith.cmpi sgt, %cond3A_461#1, %gt3A_478 : vector<16xi32>
    %lt3A_480 = arith.constant 1256 : i32
    %lt3A_481 = vector.broadcast %lt3A_480 : i32 to vector<16xi32>
    %lt3A_482 = arith.cmpi slt, %add3A_253, %lt3A_481 : vector<16xi32>
    %and3A_483 = arith.andi %gt3A_479, %lt3A_482 : vector<16xi1>
    %jit3A_484 = arith.constant 0.000000e+00 : f32
    %broadcast_in_dim3A_485 = vector.broadcast %jit3A_484 : f32 to vector<16xf32>
    %select_n3A_486 = arith.select %and3A_483, %get3A_476, %broadcast_in_dim3A_485 : vector<16xi1>, vector<16xf32>
    %swap3A_487 = arith.constant 16 : index
    %swap3A_488 = tpu.vector_load %arg10[%swap3A_487] {strides = array<i32>} : memref<48xf32, #tpu.memory_space<vmem>>, vector<16xf32>,
    tpu.vector_store %arg10[%swap3A_487], %select_n3A_486 {strides = array<i32>} : memref<48xf32, #tpu.memory_space<vmem>>, vector<16xf32>,
    %get3A_489 = arith.constant 32 : index
    %get3A_490 = tpu.vector_load %arg8[%get3A_489] {strides = array<i32>} : memref<48xf32, #tpu.memory_space<vmem>>, vector<16xf32>,
    %gt3A_491 = arith.constant 0 : i32
    %gt3A_492 = vector.broadcast %gt3A_491 : i32 to vector<16xi32>
    %gt3A_493 = arith.cmpi sgt, %cond3A_461#2, %gt3A_492 : vector<16xi32>
    %lt3A_494 = arith.constant 1256 : i32
    %lt3A_495 = vector.broadcast %lt3A_494 : i32 to vector<16xi32>
    %lt3A_496 = arith.cmpi slt, %add3A_360, %lt3A_495 : vector<16xi32>
    %and3A_497 = arith.andi %gt3A_493, %lt3A_496 : vector<16xi1>
    %jit3A_498 = arith.constant 0.000000e+00 : f32
    %broadcast_in_dim3A_499 = vector.broadcast %jit3A_498 : f32 to vector<16xf32>
    %select_n3A_500 = arith.select %and3A_497, %get3A_490, %broadcast_in_dim3A_499 : vector<16xi1>, vector<16xf32>
    %swap3A_501 = arith.constant 32 : index
    %swap3A_502 = tpu.vector_load %arg10[%swap3A_501] {strides = array<i32>} : memref<48xf32, #tpu.memory_space<vmem>>, vector<16xf32>,
    tpu.vector_store %arg10[%swap3A_501], %select_n3A_500 {strides = array<i32>} : memref<48xf32, #tpu.memory_space<vmem>>, vector<16xf32>,
    "tpu.region"() ({
      %run_scoped3A = tpu.sem_alloc : memref<!tpu.dma_semaphore, #tpu.memory_space<semaphore_mem>>
      %dma_start3A = arith.constant 0 : i32
      %dma_start3A_503 = tpu.memref_slice %arg10[%dma_start3A] : memref<48xf32, #tpu.memory_space<vmem>> -> memref<40xf32, #tpu.memory_space<vmem>>
      %dma_start3A_504 = tpu.memref_slice %arg5[%mul3A_2] : memref<1280xf32, #tpu.memory_space<hbm>> -> memref<40xf32, #tpu.memory_space<hbm>>
      %dma_start3A_505 = tpu.memref_slice %arg5[%mul3A_2] : memref<1280xf32, #tpu.memory_space<hbm>> -> memref<40xf32, #tpu.memory_space<hbm>>
      %dma_start3A_506 = arith.constant 0 : i32
      %dma_start3A_507 = tpu.memref_slice %arg10[%dma_start3A_506] : memref<48xf32, #tpu.memory_space<vmem>> -> memref<40xf32, #tpu.memory_space<vmem>>
      tpu.enqueue_dma source(%dma_start3A_507 : memref<40xf32, #tpu.memory_space<vmem>>) target(%dma_start3A_505 : memref<40xf32, #tpu.memory_space<hbm>>) target_semaphore(%run_scoped3A : memref<!tpu.dma_semaphore, #tpu.memory_space<semaphore_mem>>)
      %dma_wait3A = arith.constant 0 : i32
      %dma_wait3A_508 = tpu.memref_slice %arg10[%dma_wait3A] : memref<48xf32, #tpu.memory_space<vmem>> -> memref<40xf32, #tpu.memory_space<vmem>>
      %dma_wait3A_509 = tpu.memref_slice %arg5[%mul3A_2] : memref<1280xf32, #tpu.memory_space<hbm>> -> memref<40xf32, #tpu.memory_space<hbm>>
      %dma_wait3A_510 = tpu.memref_slice %arg5[%mul3A_2] : memref<1280xf32, #tpu.memory_space<hbm>> -> memref<40xf32, #tpu.memory_space<hbm>>
      %dma_wait3A_511 = arith.constant 0 : i32
      %dma_wait3A_512 = tpu.memref_slice %arg10[%dma_wait3A_511] : memref<48xf32, #tpu.memory_space<vmem>> -> memref<40xf32, #tpu.memory_space<vmem>>
      tpu.wait_dma2 semaphore(%run_scoped3A : memref<!tpu.dma_semaphore, #tpu.memory_space<semaphore_mem>>) src(%dma_wait3A_512 : memref<40xf32, #tpu.memory_space<vmem>>) dst(%dma_wait3A_510 : memref<40xf32, #tpu.memory_space<hbm>>)
      tpu.yield
    }) : () -> ()
    return
  }
}

module attributes {stable_mosaic.version = 14 : i64} {
  func.func @_k12_body(%arg0: i32, %arg1: memref<1000x2048xf32, #tpu.memory_space<vmem>>, %arg2: memref<256x1024xf32, #tpu.memory_space<vmem>>, %arg3: memref<512x1024xf32, #tpu.memory_space<vmem>>, %arg4: memref<1x512xf32, #tpu.memory_space<vmem>>, %arg5: memref<1x1000xf32, #tpu.memory_space<vmem>>, %arg6: memref<256x512xf32, #tpu.memory_space<vmem>>, %arg7: memref<1280x1xf32, #tpu.memory_space<vmem>>, %arg8: memref<1280x1xi32, #tpu.memory_space<vmem>>, %arg9: memref<1280x1xf32, #tpu.memory_space<vmem>>, %arg10: memref<256x2048xf32, #tpu.memory_space<vmem>>) attributes {dimension_semantics = [#tpu.dimension_semantics<arbitrary>], iteration_bounds = array<i64: 6>, scalar_prefetch = 0 : i64, scratch_operands = 1 : i64, tpu.core_type = #tpu.core_type<tc>, window_params = [{pipeline_mode = #tpu.pipeline_mode<synchronous>, transform_indices = @transform_0, window_bounds = array<i64: 1000, 2048>}, {pipeline_mode = #tpu.pipeline_mode<synchronous>, transform_indices = @transform_1, window_bounds = array<i64: 256, 1024>}, {transform_indices = @transform_2, window_bounds = array<i64: 512, 1024>}, {transform_indices = @transform_3, window_bounds = array<i64: 1, 512>}, {pipeline_mode = #tpu.pipeline_mode<synchronous>, transform_indices = @transform_4, window_bounds = array<i64: 1, 1000>}, {transform_indices = @transform_5, window_bounds = array<i64: 256, 512>}, {pipeline_mode = #tpu.pipeline_mode<synchronous>, transform_indices = @transform_6, window_bounds = array<i64: 1280, 1>}, {pipeline_mode = #tpu.pipeline_mode<synchronous>, transform_indices = @transform_7, window_bounds = array<i64: 1280, 1>}, {pipeline_mode = #tpu.pipeline_mode<synchronous>, transform_indices = @transform_8, window_bounds = array<i64: 1280, 1>}]} {
    %get3A = arith.constant 0 : index
    %get3A_0 = arith.constant 0 : index
    %get3A_1 = vector.load %arg1[%get3A, %get3A_0] : memref<1000x2048xf32, #tpu.memory_space<vmem>>, vector<1000x2048xf32>
    %get3A_2 = arith.constant 0 : index
    %get3A_3 = arith.constant 0 : index
    %get3A_4 = vector.load %arg5[%get3A_2, %get3A_3] : memref<1x1000xf32, #tpu.memory_space<vmem>>, vector<1x1000xf32>
    %le3A = arith.constant 3 : i32
    %le3A_5 = arith.cmpi sle, %arg0, %le3A : i32
    %convert_element_type3A = arith.extui %le3A_5 : i1 to i32
    %cond3A = arith.constant 0 : i32
    %cond3A_6 = arith.cmpi ne, %convert_element_type3A, %cond3A : i32
    scf.if %cond3A_6 {
      %get3A_15 = arith.constant 0 : index
      %get3A_16 = arith.constant 0 : index
      %get3A_17 = vector.load %arg2[%get3A_15, %get3A_16] : memref<256x1024xf32, #tpu.memory_space<vmem>>, vector<256x1024xf32>
      %get3A_18 = arith.constant 0 : index
      %get3A_19 = arith.constant 0 : index
      %get3A_20 = vector.load %arg3[%get3A_18, %get3A_19] : memref<512x1024xf32, #tpu.memory_space<vmem>>, vector<512x1024xf32>
      %dot_general3A = arith.constant dense<0.000000e+00> : vector<256x512xf32>
      %dot_general3A_21 = tpu.matmul %get3A_17, %get3A_20, %dot_general3A {dimension_numbers = #tpu.dot_dimension_numbers<[1], [1], [0], [0], [0, 0, 1, 0], [], []>, transpose_lhs_hint = false} : vector<256x1024xf32>, vector<512x1024xf32>, vector<256x512xf32> -> vector<256x512xf32>
      %get3A_22 = arith.constant 0 : index
      %get3A_23 = arith.constant 0 : index
      %get3A_24 = vector.load %arg4[%get3A_22, %get3A_23] : memref<1x512xf32, #tpu.memory_space<vmem>>, vector<1x512xf32>
      %add3A = vector.broadcast %get3A_24 : vector<1x512xf32> to vector<256x512xf32>
      %add3A_25 = arith.addf %dot_general3A_21, %add3A : vector<256x512xf32>
      %mul3A = arith.constant 512 : i32
      %mul3A_26 = arith.muli %arg0, %mul3A : i32
      %swap3A = arith.constant 0 : index
      %swap3A_27 = arith.index_cast %mul3A_26 : i32 to index
      %swap3A_28 = vector.load %arg10[%swap3A, %swap3A_27] : memref<256x2048xf32, #tpu.memory_space<vmem>>, vector<256x512xf32>
      tpu.vector_store %arg10[%swap3A, %swap3A_27], %add3A_25 {strides = array<i32>} : memref<256x2048xf32, #tpu.memory_space<vmem>>, vector<256x512xf32>,
      %swap3A_29 = arith.constant 0 : index
      %swap3A_30 = arith.constant 0 : index
      %swap3A_31 = vector.load %arg6[%swap3A_29, %swap3A_30] : memref<256x512xf32, #tpu.memory_space<vmem>>, vector<256x512xf32>
      tpu.vector_store %arg6[%swap3A_29, %swap3A_30], %add3A_25 {strides = array<i32>} : memref<256x512xf32, #tpu.memory_space<vmem>>, vector<256x512xf32>,
    } else {
    }
    %lt3A = arith.constant 5 : i32
    %lt3A_7 = arith.cmpi slt, %arg0, %lt3A : i32
    %convert_element_type3A_8 = arith.extui %lt3A_7 : i1 to i32
    %cond3A_9 = arith.constant 0 : i32
    %cond3A_10 = arith.cmpi ne, %convert_element_type3A_8, %cond3A_9 : i32
    scf.if %cond3A_10 {
      %mul3A = arith.constant 200 : i32
      %mul3A_15 = arith.muli %arg0, %mul3A : i32
      %get3A_16 = arith.index_cast %mul3A_15 : i32 to index
      %get3A_17 = arith.constant 0 : index
      %get3A_18 = vector.load %arg1[%get3A_16, %get3A_17] : memref<1000x2048xf32, #tpu.memory_space<vmem>>, vector<200x2048xf32>
      %dot_general3A = arith.constant dense<0.000000e+00> : vector<200x1000xf32>
      %dot_general3A_19 = tpu.matmul %get3A_18, %get3A_1, %dot_general3A {dimension_numbers = #tpu.dot_dimension_numbers<[1], [1], [0], [0], [0, 0, 1, 0], [], []>, transpose_lhs_hint = false} : vector<200x2048xf32>, vector<1000x2048xf32>, vector<200x1000xf32> -> vector<200x1000xf32>
      %add3A = vector.broadcast %get3A_4 : vector<1x1000xf32> to vector<200x1000xf32>
      %add3A_20 = arith.addf %dot_general3A_19, %add3A : vector<200x1000xf32>
      %reduce_max3A = arith.constant dense<0xFF800000> : vector<200xf32>
      %reduce_max3A_21 = vector.multi_reduction <maximumf>, %add3A_20, %reduce_max3A [1] : vector<200x1000xf32> to vector<200xf32>
      %broadcast_in_dim3A = vector.shape_cast %reduce_max3A_21 : vector<200xf32> to vector<200x1xf32>
      %sub3A = vector.broadcast %broadcast_in_dim3A : vector<200x1xf32> to vector<200x1000xf32>
      %sub3A_22 = arith.subf %add3A_20, %sub3A : vector<200x1000xf32>
      %exp3A = math.exp %sub3A_22 : vector<200x1000xf32>
      %reduce_sum3A = arith.constant dense<0.000000e+00> : vector<200xf32>
      %reduce_sum3A_23 = vector.multi_reduction <add>, %exp3A, %reduce_sum3A [1] : vector<200x1000xf32> to vector<200xf32>
      %broadcast_in_dim3A_24 = vector.shape_cast %reduce_sum3A_23 : vector<200xf32> to vector<200x1xf32>
      %mul3A_25 = arith.mulf %exp3A, %add3A_20 : vector<200x1000xf32>
      %reduce_sum3A_26 = arith.constant dense<0.000000e+00> : vector<200xf32>
      %reduce_sum3A_27 = vector.multi_reduction <add>, %mul3A_25, %reduce_sum3A_26 [1] : vector<200x1000xf32> to vector<200xf32>
      %broadcast_in_dim3A_28 = vector.shape_cast %reduce_sum3A_27 : vector<200xf32> to vector<200x1xf32>
      %iota3A = tpu.iota {dimensions = array<i32: 1>} : vector<200x1000xi32>
      %eq3A_29 = vector.broadcast %broadcast_in_dim3A : vector<200x1xf32> to vector<200x1000xf32>
      %eq3A_30 = arith.cmpf oeq, %add3A_20, %eq3A_29 : vector<200x1000xf32>
      %jit3A = arith.constant 1073741824 : i32
      %broadcast_in_dim3A_31 = vector.broadcast %jit3A : i32 to vector<200x1000xi32>
      %select_n3A = arith.select %eq3A_30, %iota3A, %broadcast_in_dim3A_31 : vector<200x1000xi1>, vector<200x1000xi32>
      %reduce_min3A = arith.constant dense<2147483647> : vector<200xi32>
      %reduce_min3A_32 = vector.multi_reduction <minsi>, %select_n3A, %reduce_min3A [1] : vector<200x1000xi32> to vector<200xi32>
      %broadcast_in_dim3A_33 = vector.shape_cast %reduce_min3A_32 : vector<200xi32> to vector<200x1xi32>
      %log3A = math.log %broadcast_in_dim3A_24 : vector<200x1xf32>
      %add3A_34 = arith.addf %broadcast_in_dim3A, %log3A : vector<200x1xf32>
      %div3A = arith.divf %broadcast_in_dim3A_28, %broadcast_in_dim3A_24 : vector<200x1xf32>
      %sub3A_35 = arith.subf %add3A_34, %div3A : vector<200x1xf32>
      %mul3A_36 = arith.mulf %get3A_18, %get3A_18 : vector<200x2048xf32>
      %reduce_sum3A_37 = arith.constant dense<0.000000e+00> : vector<200xf32>
      %reduce_sum3A_38 = vector.multi_reduction <add>, %mul3A_36, %reduce_sum3A_37 [1] : vector<200x2048xf32> to vector<200xf32>
      %broadcast_in_dim3A_39 = vector.shape_cast %reduce_sum3A_38 : vector<200xf32> to vector<200x1xf32>
      %max3A = arith.constant 1.000000e-24 : f32
      %max3A_40 = vector.broadcast %max3A : f32 to vector<200x1xf32>
      %max3A_41 = arith.maximumf %broadcast_in_dim3A_39, %max3A_40 : vector<200x1xf32>
      %rsqrt3A = math.rsqrt %max3A_41 : vector<200x1xf32>
      %mul3A_42 = arith.constant 200 : i32
      %mul3A_43 = arith.muli %arg0, %mul3A_42 : i32
      %swap3A = arith.index_cast %mul3A_43 : i32 to index
      %swap3A_44 = arith.constant 0 : index
      %swap3A_45 = vector.load %arg7[%swap3A, %swap3A_44] : memref<1280x1xf32, #tpu.memory_space<vmem>>, vector<200x1xf32>
      tpu.vector_store %arg7[%swap3A, %swap3A_44], %sub3A_35 {strides = array<i32>} : memref<1280x1xf32, #tpu.memory_space<vmem>>, vector<200x1xf32>,
      %mul3A_46 = arith.constant 200 : i32
      %mul3A_47 = arith.muli %arg0, %mul3A_46 : i32
      %swap3A_48 = arith.index_cast %mul3A_47 : i32 to index
      %swap3A_49 = arith.constant 0 : index
      %swap3A_50 = vector.load %arg8[%swap3A_48, %swap3A_49] : memref<1280x1xi32, #tpu.memory_space<vmem>>, vector<200x1xi32>
      tpu.vector_store %arg8[%swap3A_48, %swap3A_49], %broadcast_in_dim3A_33 {strides = array<i32>} : memref<1280x1xi32, #tpu.memory_space<vmem>>, vector<200x1xi32>,
      %mul3A_51 = arith.constant 200 : i32
      %mul3A_52 = arith.muli %arg0, %mul3A_51 : i32
      %swap3A_53 = arith.index_cast %mul3A_52 : i32 to index
      %swap3A_54 = arith.constant 0 : index
      %swap3A_55 = vector.load %arg9[%swap3A_53, %swap3A_54] : memref<1280x1xf32, #tpu.memory_space<vmem>>, vector<200x1xf32>
      tpu.vector_store %arg9[%swap3A_53, %swap3A_54], %rsqrt3A {strides = array<i32>} : memref<1280x1xf32, #tpu.memory_space<vmem>>, vector<200x1xf32>,
    } else {
    }
    %eq3A = arith.constant 5 : i32
    %eq3A_11 = arith.cmpi eq, %arg0, %eq3A : i32
    %convert_element_type3A_12 = arith.extui %eq3A_11 : i1 to i32
    %cond3A_13 = arith.constant 0 : i32
    %cond3A_14 = arith.cmpi ne, %convert_element_type3A_12, %cond3A_13 : i32
    scf.if %cond3A_14 {
      %get3A_15 = arith.constant 0 : index
      %get3A_16 = arith.constant 0 : index
      %get3A_17 = vector.load %arg10[%get3A_15, %get3A_16] : memref<256x2048xf32, #tpu.memory_space<vmem>>, vector<256x2048xf32>
      %dot_general3A = arith.constant dense<0.000000e+00> : vector<256x1000xf32>
      %dot_general3A_18 = tpu.matmul %get3A_17, %get3A_1, %dot_general3A {dimension_numbers = #tpu.dot_dimension_numbers<[1], [1], [0], [0], [0, 0, 1, 0], [], []>, transpose_lhs_hint = false} : vector<256x2048xf32>, vector<1000x2048xf32>, vector<256x1000xf32> -> vector<256x1000xf32>
      %add3A = vector.broadcast %get3A_4 : vector<1x1000xf32> to vector<256x1000xf32>
      %add3A_19 = arith.addf %dot_general3A_18, %add3A : vector<256x1000xf32>
      %reduce_max3A = arith.constant dense<0xFF800000> : vector<256xf32>
      %reduce_max3A_20 = vector.multi_reduction <maximumf>, %add3A_19, %reduce_max3A [1] : vector<256x1000xf32> to vector<256xf32>
      %broadcast_in_dim3A = vector.shape_cast %reduce_max3A_20 : vector<256xf32> to vector<256x1xf32>
      %sub3A = vector.broadcast %broadcast_in_dim3A : vector<256x1xf32> to vector<256x1000xf32>
      %sub3A_21 = arith.subf %add3A_19, %sub3A : vector<256x1000xf32>
      %exp3A = math.exp %sub3A_21 : vector<256x1000xf32>
      %reduce_sum3A = arith.constant dense<0.000000e+00> : vector<256xf32>
      %reduce_sum3A_22 = vector.multi_reduction <add>, %exp3A, %reduce_sum3A [1] : vector<256x1000xf32> to vector<256xf32>
      %broadcast_in_dim3A_23 = vector.shape_cast %reduce_sum3A_22 : vector<256xf32> to vector<256x1xf32>
      %mul3A = arith.mulf %exp3A, %add3A_19 : vector<256x1000xf32>
      %reduce_sum3A_24 = arith.constant dense<0.000000e+00> : vector<256xf32>
      %reduce_sum3A_25 = vector.multi_reduction <add>, %mul3A, %reduce_sum3A_24 [1] : vector<256x1000xf32> to vector<256xf32>
      %broadcast_in_dim3A_26 = vector.shape_cast %reduce_sum3A_25 : vector<256xf32> to vector<256x1xf32>
      %iota3A = tpu.iota {dimensions = array<i32: 1>} : vector<256x1000xi32>
      %eq3A_27 = vector.broadcast %broadcast_in_dim3A : vector<256x1xf32> to vector<256x1000xf32>
      %eq3A_28 = arith.cmpf oeq, %add3A_19, %eq3A_27 : vector<256x1000xf32>
      %jit3A = arith.constant 1073741824 : i32
      %broadcast_in_dim3A_29 = vector.broadcast %jit3A : i32 to vector<256x1000xi32>
      %select_n3A = arith.select %eq3A_28, %iota3A, %broadcast_in_dim3A_29 : vector<256x1000xi1>, vector<256x1000xi32>
      %reduce_min3A = arith.constant dense<2147483647> : vector<256xi32>
      %reduce_min3A_30 = vector.multi_reduction <minsi>, %select_n3A, %reduce_min3A [1] : vector<256x1000xi32> to vector<256xi32>
      %broadcast_in_dim3A_31 = vector.shape_cast %reduce_min3A_30 : vector<256xi32> to vector<256x1xi32>
      %log3A = math.log %broadcast_in_dim3A_23 : vector<256x1xf32>
      %add3A_32 = arith.addf %broadcast_in_dim3A, %log3A : vector<256x1xf32>
      %div3A = arith.divf %broadcast_in_dim3A_26, %broadcast_in_dim3A_23 : vector<256x1xf32>
      %sub3A_33 = arith.subf %add3A_32, %div3A : vector<256x1xf32>
      %mul3A_34 = arith.mulf %get3A_17, %get3A_17 : vector<256x2048xf32>
      %reduce_sum3A_35 = arith.constant dense<0.000000e+00> : vector<256xf32>
      %reduce_sum3A_36 = vector.multi_reduction <add>, %mul3A_34, %reduce_sum3A_35 [1] : vector<256x2048xf32> to vector<256xf32>
      %broadcast_in_dim3A_37 = vector.shape_cast %reduce_sum3A_36 : vector<256xf32> to vector<256x1xf32>
      %max3A = arith.constant 1.000000e-24 : f32
      %max3A_38 = vector.broadcast %max3A : f32 to vector<256x1xf32>
      %max3A_39 = arith.maximumf %broadcast_in_dim3A_37, %max3A_38 : vector<256x1xf32>
      %rsqrt3A = math.rsqrt %max3A_39 : vector<256x1xf32>
      %swap3A = arith.constant 1000 : index
      %swap3A_40 = arith.constant 0 : index
      %swap3A_41 = vector.load %arg7[%swap3A, %swap3A_40] : memref<1280x1xf32, #tpu.memory_space<vmem>>, vector<256x1xf32>
      tpu.vector_store %arg7[%swap3A, %swap3A_40], %sub3A_33 {strides = array<i32>} : memref<1280x1xf32, #tpu.memory_space<vmem>>, vector<256x1xf32>,
      %swap3A_42 = arith.constant 1000 : index
      %swap3A_43 = arith.constant 0 : index
      %swap3A_44 = vector.load %arg8[%swap3A_42, %swap3A_43] : memref<1280x1xi32, #tpu.memory_space<vmem>>, vector<256x1xi32>
      tpu.vector_store %arg8[%swap3A_42, %swap3A_43], %broadcast_in_dim3A_31 {strides = array<i32>} : memref<1280x1xi32, #tpu.memory_space<vmem>>, vector<256x1xi32>,
      %swap3A_45 = arith.constant 1000 : index
      %swap3A_46 = arith.constant 0 : index
      %swap3A_47 = vector.load %arg9[%swap3A_45, %swap3A_46] : memref<1280x1xf32, #tpu.memory_space<vmem>>, vector<256x1xf32>
      tpu.vector_store %arg9[%swap3A_45, %swap3A_46], %rsqrt3A {strides = array<i32>} : memref<1280x1xf32, #tpu.memory_space<vmem>>, vector<256x1xf32>,
      %broadcast_in_dim3A_48 = arith.constant -1 : i32
      %broadcast_in_dim3A_49 = vector.broadcast %broadcast_in_dim3A_48 : i32 to vector<24x1xi32>
      %swap3A_50 = arith.constant 1256 : index
      %swap3A_51 = arith.constant 0 : index
      %swap3A_52 = vector.load %arg8[%swap3A_50, %swap3A_51] : memref<1280x1xi32, #tpu.memory_space<vmem>>, vector<24x1xi32>
      tpu.vector_store %arg8[%swap3A_50, %swap3A_51], %broadcast_in_dim3A_49 {strides = array<i32>} : memref<1280x1xi32, #tpu.memory_space<vmem>>, vector<24x1xi32>,
    } else {
    }
    return
  }
  func.func @transform_0(%arg0: i32) -> (i32, i32) {
    %c0_i32 = arith.constant 0 : i32
    %c0_i32_0 = arith.constant 0 : i32
    %c0_i32_1 = arith.constant 0 : i32
    return %c0_i32, %c0_i32_0 : i32, i32
  }
  func.func @transform_1(%arg0: i32) -> (i32, i32) {
    %c0_i32 = arith.constant 0 : i32
    %c0_i32_0 = arith.constant 0 : i32
    %c0_i32_1 = arith.constant 0 : i32
    return %c0_i32, %c0_i32_0 : i32, i32
  }
  func.func @transform_2(%arg0: i32) -> (i32, i32) {
    %min3A = arith.constant 3 : i32
    %min3A_0 = arith.minsi %arg0, %min3A : i32
    %c0_i32 = arith.constant 0 : i32
    %c0_i32_1 = arith.constant 0 : i32
    return %min3A_0, %c0_i32 : i32, i32
  }
  func.func @transform_3(%arg0: i32) -> (i32, i32) {
    %min3A = arith.constant 3 : i32
    %min3A_0 = arith.minsi %arg0, %min3A : i32
    %c0_i32 = arith.constant 0 : i32
    %c0_i32_1 = arith.constant 0 : i32
    return %c0_i32, %min3A_0 : i32, i32
  }
  func.func @transform_4(%arg0: i32) -> (i32, i32) {
    %c0_i32 = arith.constant 0 : i32
    %c0_i32_0 = arith.constant 0 : i32
    %c0_i32_1 = arith.constant 0 : i32
    return %c0_i32, %c0_i32_0 : i32, i32
  }
  func.func @transform_5(%arg0: i32) -> (i32, i32) {
    %min3A = arith.constant 3 : i32
    %min3A_0 = arith.minsi %arg0, %min3A : i32
    %c0_i32 = arith.constant 0 : i32
    %c0_i32_1 = arith.constant 0 : i32
    return %c0_i32, %min3A_0 : i32, i32
  }
  func.func @transform_6(%arg0: i32) -> (i32, i32) {
    %c0_i32 = arith.constant 0 : i32
    %c0_i32_0 = arith.constant 0 : i32
    %c0_i32_1 = arith.constant 0 : i32
    return %c0_i32, %c0_i32_0 : i32, i32
  }
  func.func @transform_7(%arg0: i32) -> (i32, i32) {
    %c0_i32 = arith.constant 0 : i32
    %c0_i32_0 = arith.constant 0 : i32
    %c0_i32_1 = arith.constant 0 : i32
    return %c0_i32, %c0_i32_0 : i32, i32
  }
  func.func @transform_8(%arg0: i32) -> (i32, i32) {
    %c0_i32 = arith.constant 0 : i32
    %c0_i32_0 = arith.constant 0 : i32
    %c0_i32_1 = arith.constant 0 : i32
    return %c0_i32, %c0_i32_0 : i32, i32
  }
}

module attributes {stable_mosaic.version = 14 : i64} {
  func.func @_k45_body(%arg0: memref<1280x1xi32, #tpu.memory_space<vmem>>, %arg1: memref<1280x1xf32, #tpu.memory_space<vmem>>, %arg2: memref<1000x2048xf32, #tpu.memory_space<vmem>>, %arg3: memref<256x2048xf32, #tpu.memory_space<vmem>>, %arg4: memref<256x1000xf32, #tpu.memory_space<vmem>>) attributes {dimension_semantics = [], scalar_prefetch = 0 : i64, scratch_operands = 0 : i64, tpu.core_type = #tpu.core_type<tc>} {
    %get3A = arith.constant 0 : index
    %get3A_0 = arith.constant 0 : index
    %get3A_1 = vector.load %arg0[%get3A, %get3A_0] : memref<1280x1xi32, #tpu.memory_space<vmem>>, vector<1280x1xi32>
    %get3A_2 = arith.constant 0 : index
    %get3A_3 = arith.constant 0 : index
    %get3A_4 = vector.load %arg1[%get3A_2, %get3A_3] : memref<1280x1xf32, #tpu.memory_space<vmem>>, vector<1280x1xf32>
    %slice3A = vector.extract_strided_slice %get3A_1 {offsets = [0, 0], sizes = [1000, 1], strides = [1, 1]} : vector<1280x1xi32> to vector<1000x1xi32>
    %slice3A_5 = vector.extract_strided_slice %get3A_4 {offsets = [0, 0], sizes = [1000, 1], strides = [1, 1]} : vector<1280x1xf32> to vector<1000x1xf32>
    %slice3A_6 = vector.extract_strided_slice %get3A_1 {offsets = [1000, 0], sizes = [256, 1], strides = [1, 1]} : vector<1280x1xi32> to vector<256x1xi32>
    %slice3A_7 = vector.extract_strided_slice %get3A_4 {offsets = [1000, 0], sizes = [256, 1], strides = [1, 1]} : vector<1280x1xf32> to vector<256x1xf32>
    %iota3A = tpu.iota {dimensions = array<i32: 1>} : vector<1000x1024xi32>
    %iota3A_8 = tpu.iota {dimensions = array<i32: 1>} : vector<256x1024xi32>
    %eq3A = vector.broadcast %slice3A : vector<1000x1xi32> to vector<1000x1024xi32>
    %eq3A_9 = arith.cmpi eq, %eq3A, %iota3A : vector<1000x1024xi32>
    %jit3A = arith.constant 0.000000e+00 : f32
    %broadcast_in_dim3A = vector.shape_cast %slice3A_5 : vector<1000x1xf32> to vector<1000x1xf32>
    %broadcast_in_dim3A_10 = vector.broadcast %broadcast_in_dim3A : vector<1000x1xf32> to vector<1000x1024xf32>
    %broadcast_in_dim3A_11 = vector.broadcast %jit3A : f32 to vector<1000x1024xf32>
    %select_n3A = arith.select %eq3A_9, %broadcast_in_dim3A_10, %broadcast_in_dim3A_11 : vector<1000x1024xi1>, vector<1000x1024xf32>
    %convert_element_type3A = arith.truncf %select_n3A : vector<1000x1024xf32> to vector<1000x1024xbf16>
    %eq3A_12 = vector.broadcast %slice3A_6 : vector<256x1xi32> to vector<256x1024xi32>
    %eq3A_13 = arith.cmpi eq, %eq3A_12, %iota3A_8 : vector<256x1024xi32>
    %jit3A_14 = arith.constant 0.000000e+00 : f32
    %broadcast_in_dim3A_15 = vector.shape_cast %slice3A_7 : vector<256x1xf32> to vector<256x1xf32>
    %broadcast_in_dim3A_16 = vector.broadcast %broadcast_in_dim3A_15 : vector<256x1xf32> to vector<256x1024xf32>
    %broadcast_in_dim3A_17 = vector.broadcast %jit3A_14 : f32 to vector<256x1024xf32>
    %select_n3A_18 = arith.select %eq3A_13, %broadcast_in_dim3A_16, %broadcast_in_dim3A_17 : vector<256x1024xi1>, vector<256x1024xf32>
    %convert_element_type3A_19 = arith.truncf %select_n3A_18 : vector<256x1024xf32> to vector<256x1024xbf16>
    %get3A_20 = arith.constant 0 : index
    %get3A_21 = arith.constant 0 : index
    %get3A_22 = vector.load %arg3[%get3A_20, %get3A_21] : memref<256x2048xf32, #tpu.memory_space<vmem>>, vector<256x2048xf32>
    %get3A_23 = arith.constant 0 : index
    %get3A_24 = arith.constant 0 : index
    %get3A_25 = vector.load %arg2[%get3A_23, %get3A_24] : memref<1000x2048xf32, #tpu.memory_space<vmem>>, vector<1000x2048xf32>
    %convert_element_type3A_26 = arith.truncf %get3A_25 : vector<1000x2048xf32> to vector<1000x2048xbf16>
    %dot_general3A = arith.constant dense<0.000000e+00> : vector<1024x2048xf32>
    %dot_general3A_27 = tpu.matmul %convert_element_type3A, %convert_element_type3A_26, %dot_general3A {dimension_numbers = #tpu.dot_dimension_numbers<[0], [0], [1], [1], [0, 1, 1, 1], [], []>, transpose_lhs_hint = false} : vector<1000x1024xbf16>, vector<1000x2048xbf16>, vector<1024x2048xf32> -> vector<1024x2048xf32>
    %convert_element_type3A_28 = arith.truncf %get3A_22 : vector<256x2048xf32> to vector<256x2048xbf16>
    %dot_general3A_29 = arith.constant dense<0.000000e+00> : vector<1024x2048xf32>
    %dot_general3A_30 = tpu.matmul %convert_element_type3A_19, %convert_element_type3A_28, %dot_general3A_29 {dimension_numbers = #tpu.dot_dimension_numbers<[0], [0], [1], [1], [0, 1, 1, 1], [], []>, transpose_lhs_hint = false} : vector<256x1024xbf16>, vector<256x2048xbf16>, vector<1024x2048xf32> -> vector<1024x2048xf32>
    %add3A = arith.addf %dot_general3A_27, %dot_general3A_30 : vector<1024x2048xf32>
    %mul3A = arith.mulf %add3A, %add3A : vector<1024x2048xf32>
    %reduce_sum3A = arith.constant dense<0.000000e+00> : vector<1024xf32>
    %reduce_sum3A_31 = vector.multi_reduction <add>, %mul3A, %reduce_sum3A [1] : vector<1024x2048xf32> to vector<1024xf32>
    %broadcast_in_dim3A_32 = vector.shape_cast %reduce_sum3A_31 : vector<1024xf32> to vector<1024x1xf32>
    %max3A = arith.constant 1.000000e-24 : f32
    %max3A_33 = vector.broadcast %max3A : f32 to vector<1024x1xf32>
    %max3A_34 = arith.maximumf %broadcast_in_dim3A_32, %max3A_33 : vector<1024x1xf32>
    %rsqrt3A = math.rsqrt %max3A_34 : vector<1024x1xf32>
    %mul3A_35 = vector.broadcast %rsqrt3A : vector<1024x1xf32> to vector<1024x2048xf32>
    %mul3A_36 = arith.mulf %add3A, %mul3A_35 : vector<1024x2048xf32>
    %dot_general3A_37 = arith.constant dense<0.000000e+00> : vector<256x1024xf32>
    %dot_general3A_38 = tpu.matmul %get3A_22, %mul3A_36, %dot_general3A_37 {dimension_numbers = #tpu.dot_dimension_numbers<[1], [1], [0], [0], [0, 0, 1, 0], [], []>, transpose_lhs_hint = false} : vector<256x2048xf32>, vector<1024x2048xf32>, vector<256x1024xf32> -> vector<256x1024xf32>
    %slice3A_39 = vector.extract_strided_slice %dot_general3A_38 {offsets = [0, 0], sizes = [256, 1000], strides = [1, 1]} : vector<256x1024xf32> to vector<256x1000xf32>
    %swap3A = arith.constant 0 : index
    %swap3A_40 = arith.constant 0 : index
    %swap3A_41 = vector.load %arg4[%swap3A, %swap3A_40] : memref<256x1000xf32, #tpu.memory_space<vmem>>, vector<256x1000xf32>
    tpu.vector_store %arg4[%swap3A, %swap3A_40], %slice3A_39 {strides = array<i32>} : memref<256x1000xf32, #tpu.memory_space<vmem>>, vector<256x1000xf32>,
    return
  }
}

</mosaic_0001>

<sc_bundles>
// kernel: kernel.5.cloned.1.call-start
scs
__scs_entry_jumppad:
0x0: {  	(pc) =	sbr.rel $0x88, $3  }
0x1: {  	(tag) =	ssettag $0x0;
	lr =	simm.s32 $0x1  }
0x2: {  	[smem:$0x3F9C] =	sst lr;
	_ =	strace $0xD0000000  }
0x3: {  	_ = 	snop  }
0x4: {  	_ = 	snop  }
0x5: {  	_ = 	snop  }
0x6: {  	_ = 	snop  }
0x7: {  	_ = 	snop  }
__scs_overlays_trampoline_lowered:
0x8: {  	[smem:$0x3FAB] =	sst s0  }
0x9: {  	[smem:$0x3FAC] =	sst s1  }
0xa: {  	[smem:$0x3FAD] =	sst s2  }
0xb: {  	[smem:$0x3FAE] =	sst s3  }
0xc: {  	[smem:$0x3FAF] =	sst s4  }
0xd: {  	[smem:$0x3FB0] =	sst s5  }
0xe: {  	[smem:$0x3FB1] =	sst s6  }
0xf: {  	[smem:$0x3FB2] =	sst s7  }
0x10: {  	[smem:$0x3FB3] =	sst s8  }
0x11: {  	[smem:$0x3FB4] =	sst s9;
	s0 =	simm.s32 @!p0 $0x0  }
0x12: {  	s1 =	sld [smem:$0x3F9A];
	s0 =	simm.s32 @p0 $0x1  }
0x13: {  	[smem:$0x3FB5] =	sst s0;
	s0 =	simm.s32 @!p1 $0x0  }
0x14: {  	s2 =	sld [smem:$0x3F99];
	s0 =	simm.s32 @p1 $0x1  }
0x15: {  	[smem:$0x3FB6] =	sst s0;
	s0 =	simm.s32 @!p2 $0x0  }
0x16: {  	s3 =	sld [smem:$0x3FDB];
	s0 =	simm.s32 @p2 $0x1  }
0x17: {  	s4 =	simm.s32 $0x1BF5;
	[smem:$0x3FB8] =	sst s0  }
0x18: {  	s0 =	sld [smem:$0x3F9B];
	_ =	swait.ge [sflag:s4], $0x0  }
0x19: {  	s7 =	sld [smem:$0x3F9C]  }
0x1a: {  	s8 =	sadd.s32 $0xFFFFE003, lr  }
0x1b: {  	s9 =	sadd.s32 $0xFFFFFEF7, lr;
	s5 =	simm.s32 $0xFFFFFFFF;
	p2 =	slt.u32 s8, $0xFFFFF086  }
0x1c: {  	p1 =	slt.u32 s9, $0xF7A;
	s5 =	simm.s32 @!p2 $0x0  }
0x1d: {  	s5 =	simm.s32 @p1 $0x1;
	p0 =	seq.s32 s7, s2  }
0x1e: {  	s7 =	smul.u32 @!p0 $0xF7A, s2;
	p2 =	seq.s32 @!p0 s5, $0x0  }
0x1f: {  	s9 =	smul.u32 $0xF7A, s1;
	s8 =	simm.s32 @!p0 $0x1BF5;
	p2 =	por !p2, p0  }
0x20: {  	[sflag:s8] =	ssyncset.s32 @!p0 $0xFFFFF086;
	s6 =	sadd.s32 @!p0 s3, s7;
	s7 =	simm.s32 @!p0 $0x108  }
0x21: {  	s3 =	sadd.s32 s3, s9;
	s6 =	sadd.s32 @!p0 $0x88, s6;
	s7 =	simm.s32 @p2 $0x1082  }
0x22: {  	[simem:s7], [sflag:s8] =	dma.local @!p0 [hbm:s6], $0xF7A  }
0x23: {  	s9 =	sor.u32 $0xD0000000, s2;
	s6 =	simm.s32 $0x108;
	_ =	swait.ge @!p0 [sflag:s8], $0x0  }
0x24: {  	s3 =	sadd.s32 $0x88, s3;
	s6 =	simm.s32 @!p1 $0x1082;
	[sflag:s4] =	ssyncset.s32 $0xFFFFF086  }
0x25: {  	[simem:s6], [sflag:s4] =	dma.local [hbm:s3], $0xF7A  }
0x26: {  	[smem:$0x3F9C] =	sst s1;
	(tag) =	ssettag s2;
	_ =	strace s9  }
0x27: {  	s1 =	sld [smem:$0x3FAC]  }
0x28: {  	s2 =	sld [smem:$0x3FAD]  }
0x29: {  	s4 =	sld [smem:$0x3FAF]  }
0x2a: {  	p0 =	seq.s32 s5, $0x0;
	s5 =	sld [smem:$0x3FB0]  }
0x2b: {  	s6 =	sld [smem:$0x3FB1]  }
0x2c: {  	s7 =	sld [smem:$0x3FB2]  }
0x2d: {  	s3 =	simm.s32 $0x108;
	s8 =	sld [smem:$0x3FB3]  }
0x2e: {  	s3 =	simm.s32 @!p0 $0x1082;
	s9 =	sld [smem:$0x3FB4]  }
0x2f: {  	lr =	sadd.s32 s0, s3;
	s0 =	sld [smem:$0x3FAB]  }
0x30: {  	s3 =	sld [smem:$0x3FAE]  }
0x31: {  	[smem:$0x3FB7] =	sst s10  }
0x32: {  	s10 =	sld [smem:$0x3FB5];
	_ =	sdelay $0x3  }
0x33: {  	p0 =	seq.s32 s10, $0x1;
	s10 =	sld [smem:$0x3FB7];
	_ =	sdelay $0x3  }
0x34: {  	[smem:$0x3FB7] =	sst s10  }
0x35: {  	s10 =	sld [smem:$0x3FB6];
	_ =	sdelay $0x3  }
0x36: {  	p1 =	seq.s32 s10, $0x1;
	s10 =	sld [smem:$0x3FB7];
	_ =	sdelay $0x3  }
0x37: {  	[smem:$0x3FB7] =	sst s10  }
0x38: {  	s10 =	sld [smem:$0x3FB8]  }
0x39: {  	_ = 	snop;
	(pc) =	sbr.ind lr, $3  }
0x3a: {  	_ = 	snop  }
0x3b: {  	_ = 	snop  }
0x3c: {  	p2 =	seq.s32 s10, $0x1;
	s10 =	sld [smem:$0x3FB7]  }
0x3d: {  	_ =	shalt  }
0x3e: {  	_ =	shalt  }
0x3f: {  	_ =	shalt  }
0x40: {  	_ =	shalt  }
0x41: {  	_ =	shalt  }
0x42: {  	_ =	shalt  }
0x43: {  	_ =	shalt  }
0x44: {  	_ =	shalt  }
0x45: {  	_ =	shalt  }
0x46: {  	_ =	shalt  }
0x47: {  	_ =	shalt  }
0x48: {  	_ =	shalt  }
0x49: {  	_ =	shalt  }
0x4a: {  	_ =	shalt  }
0x4b: {  	_ =	shalt  }
0x4c: {  	_ =	shalt  }
0x4d: {  	_ =	shalt  }
0x4e: {  	_ =	shalt  }
0x4f: {  	_ =	shalt  }
0x50: {  	_ =	shalt  }
0x51: {  	_ =	shalt  }
0x52: {  	_ =	shalt  }
0x53: {  	_ =	shalt  }
0x54: {  	_ =	shalt  }
0x55: {  	_ =	shalt  }
0x56: {  	_ =	shalt  }
0x57: {  	_ =	shalt  }
0x58: {  	_ =	shalt  }
0x59: {  	_ =	shalt  }
0x5a: {  	_ =	shalt  }
0x5b: {  	_ =	shalt  }
0x5c: {  	_ =	shalt  }
0x5d: {  	_ =	shalt  }
0x5e: {  	_ =	shalt  }
0x5f: {  	_ =	shalt  }
0x60: {  	_ =	shalt  }
0x61: {  	_ =	shalt  }
0x62: {  	_ =	shalt  }
0x63: {  	_ =	shalt  }
0x64: {  	_ =	shalt  }
0x65: {  	_ =	shalt  }
0x66: {  	_ =	shalt  }
0x67: {  	_ =	shalt  }
0x68: {  	_ =	shalt  }
0x69: {  	_ =	shalt  }
0x6a: {  	_ =	shalt  }
0x6b: {  	_ =	shalt  }
0x6c: {  	_ =	shalt  }
0x6d: {  	_ =	shalt  }
0x6e: {  	_ =	shalt  }
0x6f: {  	_ =	shalt  }
0x70: {  	_ =	shalt  }
0x71: {  	_ =	shalt  }
0x72: {  	_ =	shalt  }
0x73: {  	_ =	shalt  }
0x74: {  	_ =	shalt  }
0x75: {  	_ =	shalt  }
0x76: {  	_ =	shalt  }
0x77: {  	_ =	shalt  }
0x78: {  	_ =	shalt  }
0x79: {  	_ =	shalt  }
0x7a: {  	_ =	shalt  }
0x7b: {  	_ =	shalt  }
0x7c: {  	_ =	shalt  }
0x7d: {  	_ =	shalt  }
0x7e: {  	_ =	shalt  }
0x7f: {  	_ =	shalt  }
0x80: {  	_ =	shalt  }
0x81: {  	_ =	shalt  }
0x82: {  	_ =	shalt  }
0x83: {  	_ =	shalt  }
0x84: {  	_ =	shalt  }
0x85: {  	_ =	shalt  }
0x86: {  	_ =	shalt  }
0x87: {  	_ =	shalt  }
.Lfunc_end0:
.L_simem_size_0:
called_computation_lowered:
.L_overlay_start_0:
0x88: {  	s2 =	sld [smem:$0x3FD9]  }
0x89: {  	s3 =	sld [smem:$0x3FFE];
	_ =	sdelay $0x1  }
0x8a: {  	s1 =	srdreg.scid  }
0x8b: {  	s0 =	sand.u32 $0x1, s1  }
0x8c: {  	s17 =	sshll.u32 s0, $0xA;
	s2 =	sadd.s32 s3, s2  }
0x8d: {  	s2 =	sadd.s32 s2, s17  }
0x8e: {  	[smem:$0x3FC3] =	sst s2  }
0x8f: {  	_ = 	snop  }
0x90: {  	s2 =	sld [smem:$0x3FD0];
	(tm) =	ssettm $0x1  }
0x91: {  	s18 =	sld [smem:$0x3FFB];
	_ =	sdelay $0x3  }
0x92: {  	_ =	strace s18  }
0x93: {  	s3 =	sld [smem:$0x3FFC];
	_ =	sdelay $0x3  }
0x94: {  	_ =	strace s3  }
0x95: {  	s3 =	sld [smem:$0x3FFD];
	_ =	sdelay $0x3  }
0x96: {  	_ =	strace s3  }
0x97: {  	_ =	strace $0x8FFFFFFF  }
0x98: {  	s19 =	sld [smem:$0x3FDB];
	_ =	sdelay $0x1  }
0x99: {  	s4 =	simm.s32 $_scs_section_size  }
0x9a: {  	s5 =	simm.s32 $_size__tile_overlayer_lowered;
	s6 =	simm.s32 $_tile_overlayer_lowered  }
0x9b: {  	s22 =	simm.s32 $0x1BFF;
	s21 =	sshll.u32 s6, $0x1;
	s3 =	sadd.s32 s4, s19  }
0x9c: {  	s7 =	simm.s32 $0x0;
	s20 =	sshll.u32 s5, $0x1;
	s5 =	sadd.s32 s21, s3  }
0x9d: {  	[timem:s7], [sflag:s22] =	dma.local [hbm:s5], s20  }
0x9e: {  	_ =	swait.ge [sflag:s22], s20  }
0x9f: {  	s4 =	ssub.s32 $0x0, s20;
	[sflag:s22] =	ssyncset.done $0x0  }
0xa0: {  	[sflag:s22] =	ssyncadd.s32 s4;
	_ =	sdelay $0x1  }
0xa1: {  	s23 =	simm.s32 $0x1B8B  }
0xa2: {  	_ =	swait.ge [sflag:s23], $0x1  }
0xa3: {  	[sflag:s23] =	ssyncset.done $0x0  }
0xa4: {  	s25 =	simm.s32 $0x1B8E;
	s24 =	sld [smem:$0x3FFE];
	[sflag:s23] =	ssyncadd.s32 $0xFFFFFFFF  }
0xa5: {  	s26 =	simm.s32 $execute0_lowered;
	[smem:$0x3FD2] =	sst s25  }
0xa6: {  	s5 =	sshll.u32 s26, $0x1;
	_ =	strace $0x80000046;
	[dreg:$0x1] =	wrdreg $0xFFFFFFFF  }
0xa7: {  	s28 =	simm.s32 $_size_execute0_lowered;
	s3 =	sadd.s32 s3, s5;
	[dreg:$0x0] =	wrdreg $0x0  }
0xa8: {  	s5 =	sshll.u32 s28, $0x1;
	[dreg:$0x2] =	wrdreg s3  }
0xa9: {  	[dreg:$0x3] =	wrdreg s5  }
0xaa: {  	[dreg:$0x4] =	wrdreg $0xC0  }
0xab: {  	_ =	task [dreg:s7], $0x5FFFF  }
0xac: {  	[dreg:$0x1] =	wrdreg $0xFFFFFFFF  }
0xad: {  	[dreg:$0x0] =	wrdreg $0x60  }
0xae: {  	[dreg:$0x2] =	wrdreg s2  }
0xaf: {  	[dreg:$0x3] =	wrdreg s24  }
0xb0: {  	[dreg:$0x4] =	wrdreg $0x9  }
0xb1: {  	_ =	task.clear_ibuf [dreg:s7], $0x5FFFF;
	_ =	strace $0x90000046  }
0xb2: {  	s29 =	simm.s32 $0x9;
	_ =	strace $0x80000048  }
0xb3: {  	_ =	swait.ge [sflag:s29], $0x1  }
0xb4: {  	[sflag:s29] =	ssyncadd.s32 $0xFFFFFFFF  }
0xb5: {  	_ =	strace $0x90000048  }
0xb6: {  	_ =	sfence  }
0xb7: {  	s30 =	sld [smem:$0x0];
	_ =	sdelay $0x2  }
0xb8: {  	s31 =	sshll.u32 s1, $0xD;
	s1 =	sshrl.u32 s1, $0x2  }
0xb9: {  	s3 =	sand.u32 $0x4000, s31;
	s1 =	sadd.s32 s1, s30  }
0xba: {  	s0 =	sor.u32 s3, s0;
	s1 =	sshll.u32 s1, $0x11  }
0xbb: {  	s0 =	sor.u32 s1, s0  }
0xbc: {  	s0 =	sadd.s32 $0x8F2B, s0  }
0xbd: {  	[sflag:s0] =	ssyncadd.remote.s32 $0x1  }
0xbe: {  	_ =	sfence.sel $0xFFFF  }
0xbf: {  	[dreg:$0x0] =	wrdreg $0xFFFFFFFF;
	(pc) =	sbr.abs _section_cstart, $3  }
0xc0: {  	[dreg:$0x1] =	wrdreg $0xFFFFFFFF  }
0xc1: {  	_ =	task.clear_ibuf [dreg:s7], $0x2FFFF;
	_ =	strace $0x9FFFFFFF  }
0xc2: {  	(tm) =	ssettm $0x7FFFFFFF  }
0xc3: {  	_ =	shalt  }
tec
execute0_lowered:
.L_overlay_start_1:
0x0: {  	(tag) =	ssettag $0x1  }
0x1: {  	s2 =	rddreg [dreg:$0x0];
	s1 =	srdreg.scid  }
0x2: {  	s0 =	stileid.u32;
	s8 =	rddreg [dreg:$0x1];
	s3 =	simm.s32 $0x0  }
0x3: {  	s11 =	simm.s32 $0x1;
	s5 =	sand.u32 $0x1, s1;
	s4 =	sshll.u32 s0, $0x1  }
0x4: {  	s12 =	simm.s32 $0x600;
	s13 =	simm.s32 $0xC00;
	s4 =	sor.u32 s5, s4  }
0x5: {  	s14 =	simm.s32 $0xC80;
	s6 =	ssub.s32 $0x2, s5;
	s4 =	smul.u32 $0x28, s4  }
.Ltmp0:
0x6: {  	s15 =	simm.s32 $0x4C80;
	s7 =	sshrl.u32 s6, $0x1;
	(pc) =	sbr.rel .LBB2_1-.Ltmp0, $4  }
0x7: {  	v5 =	vlaneseq.u32;
	v3 =	vimm.s32 $0xFFFFFFFF;
	v4 =	vimm.f32 $0.0e+00;
	s16 =	simm.s32 $0x0;
	[smem:$0x7FF] =	sst s3;
	s10 =	ssub.s32 s6, s7  }
0x8: {  	v6 =	vimm.f32 $1.000000000e+00;
	v7 =	vimm.s32 $0x0;
	s9 =	sshrl.u32 s4, $0x3;
	s5 =	sadd.s32 $0x10, s4;
	v0 =	vadd.s32 s4, v5;
	s7 =	sadd.s32 $0x20, s4  }
0x9: {  	s1 =	rddreg [dreg:$0x2];
	_ =	strace $0x80000047;
	s6 =	sadd.s32 s8, s9;
	v1 =	vadd.s32 s5, v5;
	vm0 =	vlt.u32 v0, $0x4E8;
	v2 =	vadd.s32 s7, v5  }
0xa: {  	s10 =	smax.u32 s10, $0x1;
	s8 =	sadd.s32 $0x200, s8;
	v5 =	vmul.u32 $0x400, v5;
	vm1 =	vlt.u32 v1, $0x4E8;
	s9 =	sadd.s32 $0x400, s6;
	vm2 =	vlt.u32 v2, $0x4E8  }
.LBB2_13:
0xb: {  	v8 =	vld [tilespmem:$0xC00]  }
0xc: {  	v9 =	vld [tilespmem:$0xC10]  }
0xd: {  	v10 =	vld [tilespmem:$0xC20];
	_ =	sdelay $0x2  }
0xe: {  	v8 =	vnsel vm3, $0x0, v8  }
0xf: {  	s16 =	sadd.s32 $0x1, s16;
	[tilespmem:$0x4C80] =	vst v8;
	v8 =	vnsel vm4, $0x0, v9  }
0x10: {  	p0 =	sne.s32 s16, s10;
	[tilespmem:$0x4C90] =	vst v8;
	v8 =	vnsel vm5, $0x0, v10  }
.Ltmp1:
0x11: {  	[tilespmem:$0x4CA0] =	vst v8;
	(pc) =	sbr.rel @!p0 .LBB2_14-.Ltmp1, $4  }
0x12: {  	[hbm4b:s9+s3] =	stream.linear.scatter [tilespmem:s15], [sflag:$0x1], $0x28, $0x38;
	[tilespmem:$0x4D00] =	vst v63  }
0x13: {  	_ =	swait.ge [sflag:s11], $0x28  }
0x14: {  	[sflag:s11] =	ssyncset.done $0x0  }
0x15: {  	[sflag:s11] =	ssyncadd.s32 $0xFFFFFFD8  }
.LBB2_1:
0x16: {  	[tilespmem:s3], [sflag:$0x1] =	stream.linear.gather [hbm4b:s2+s3], $0x500, $0x38;
	[tilespmem:$0x4D00] =	vst v63  }
0x17: {  	_ =	swait.ge [sflag:s11], $0x500  }
0x18: {  	[sflag:s11] =	ssyncset.done $0x0  }
0x19: {  	[sflag:s11] =	ssyncadd.s32 $0xFFFFFB00  }
0x1a: {  	[tilespmem:s12], [sflag:$0x1] =	stream.linear.gather [hbm4b:s8+s3], $0x500, $0x38;
	[tilespmem:$0x4D00] =	vst v63  }
0x1b: {  	_ =	swait.ge [sflag:s11], $0x500  }
0x1c: {  	[sflag:s11] =	ssyncset.done $0x0  }
0x1d: {  	[sflag:s11] =	ssyncadd.s32 $0xFFFFFB00  }
0x1e: {  	[tilespmem:s13], [sflag:$0x1] =	stream.linear.gather [hbm4b:s6+s3], $0x28, $0x38;
	[tilespmem:$0x4D00] =	vst v63  }
0x1f: {  	_ =	swait.ge [sflag:s11], $0x28  }
0x20: {  	[sflag:s11] =	ssyncset.done $0x0  }
0x21: {  	[sflag:s11] =	ssyncadd.s32 $0xFFFFFFD8  }
0x22: {  	[tilespmem:$0xB00] =	vst v3  }
0x23: {  	[tilespmem:$0x500] =	vst v4  }
0x24: {  	[tilespmem:$0xB10] =	vst v3  }
0x25: {  	[tilespmem:$0x510] =	vst v4  }
0x26: {  	[tilespmem:$0xB20] =	vst v3  }
0x27: {  	[tilespmem:$0x520] =	vst v4  }
0x28: {  	[tilespmem:$0xB30] =	vst v3  }
0x29: {  	[tilespmem:$0x530] =	vst v4  }
0x2a: {  	[tilespmem:$0xB40] =	vst v3  }
0x2b: {  	[tilespmem:$0x540] =	vst v4  }
0x2c: {  	[tilespmem:$0xB50] =	vst v3  }
0x2d: {  	[tilespmem:$0x550] =	vst v4  }
0x2e: {  	[tilespmem:$0xB60] =	vst v3  }
0x2f: {  	[tilespmem:$0x560] =	vst v4  }
0x30: {  	[tilespmem:$0xB70] =	vst v3  }
0x31: {  	[tilespmem:$0x570] =	vst v4  }
0x32: {  	[tilespmem:$0xB80] =	vst v3  }
0x33: {  	[tilespmem:$0x580] =	vst v4  }
0x34: {  	[tilespmem:$0xB90] =	vst v3  }
0x35: {  	[tilespmem:$0x590] =	vst v4  }
0x36: {  	[tilespmem:$0xBA0] =	vst v3  }
0x37: {  	[tilespmem:$0x5A0] =	vst v4  }
0x38: {  	[tilespmem:$0xBB0] =	vst v3  }
0x39: {  	[tilespmem:$0x5B0] =	vst v4  }
0x3a: {  	[tilespmem:$0xBC0] =	vst v3  }
0x3b: {  	[tilespmem:$0x5C0] =	vst v4  }
0x3c: {  	[tilespmem:$0xBD0] =	vst v3  }
0x3d: {  	[tilespmem:$0x5D0] =	vst v4  }
0x3e: {  	[tilespmem:$0xBE0] =	vst v3  }
0x3f: {  	[tilespmem:$0x5E0] =	vst v4  }
0x40: {  	[tilespmem:$0xBF0] =	vst v3  }
0x41: {  	s17 =	simm.s32 $0x0;
	[tilespmem:$0x5F0] =	vst v4  }
.LBB2_2:
0x42: {  	p0 =	sne.s32 s17, $0xFFC0  }
.Ltmp2:
0x43: {  	_ = 	snop;
	(pc) =	sbr.rel @p0 .LBB2_2-.Ltmp2, $3  }
0x44: {  	_ =	sdelay $0x1  }
0x45: {  	s18 =	sshra.s32 s17, $0x2  }
0x46: {  	s17 =	sadd.s32 $0x40, s17;
	[tilespmem:s18+$0xC80] =	vst v4  }
0x47: {  	s18 =	simm.s32 $0x0;
	s17 =	simm.s32 $0x40  }
.LBB2_4:
0x48: {  	p0 =	sne.s32 s17, $0x13C0;
	v8 =	vld [tilespmem:s18+$0x600];
	_ =	sdelay $0x4  }
0x49: {  	vm3 =	vgt.s32 v8, $0x0  }
0x4a: {  	v9 =	vnsel vm3, $0x0, v8;
	vm3 =	vgt.s32 v8, $0xFFFFFFFF  }
0x4b: {  	v8 =	vadd.s32 v5, v9  }
.Ltmp3:
0x4c: {  	(pc) =	sbr.rel @p0 .LBB2_4-.Ltmp3, $2  }
0x4d: {  	_ =	sdelay $0x2  }
0x4e: {  	s18 =	sshra.s32 s17, $0x2;
	s17 =	sadd.s32 $0x40, s17;
	[tilespmem:v8+s14+$0x0] =	vst.idx.add.f32.msk vm3, v6  }
0x4f: {  	v8 =	vld [tilespmem:s18+$0x600];
	_ =	sdelay $0x4  }
0x50: {  	vm3 =	vgt.s32 v8, $0x0  }
0x51: {  	v9 =	vnsel vm3, $0x0, v8;
	vm3 =	vgt.s32 v8, $0xFFFFFFFF  }
0x52: {  	v8 =	vadd.s32 v5, v9;
	_ =	sdelay $0x4  }
0x53: {  	[tilespmem:v8+s14+$0x0] =	vst.idx.add.f32.msk vm3, v6  }
0x54: {  	v10 =	vld [tilespmem:s4+$0x600];
	_ =	sdelay $0x4  }
0x55: {  	vm3 =	vgt.s32 v10, $0x0  }
0x56: {  	v8 =	vnsel vm3, $0x0, v10  }
0x57: {  	v11 =	vmin.u32 v8, $0x3FF  }
0x58: {  	v8 =	vor.u32 $0x400, v11  }
0x59: {  	v9 =	vor.u32 $0x800, v11  }
0x5a: {  	v12 =	vor.u32 $0xC00, v11  }
0x5b: {  	v13 =	vor.u32 $0x1000, v11  }
0x5c: {  	v14 =	vld.idx.msk [tilespmem:v11+s14+$0x0], $0xffff  }
0x5d: {  	v17 =	vor.u32 $0x1800, v11;
	v15 =	vld.idx.msk [tilespmem:v8+s14+$0x0], $0xffff  }
0x5e: {  	v8 =	vor.u32 $0x1400, v11;
	v16 =	vld.idx.msk [tilespmem:v9+s14+$0x0], $0xffff  }
0x5f: {  	v12 =	vld.idx.msk [tilespmem:v12+s14+$0x0], $0xffff  }
0x60: {  	v18 =	vor.u32 $0x1C00, v11;
	v13 =	vld.idx.msk [tilespmem:v13+s14+$0x0], $0xffff  }
0x61: {  	v19 =	vor.u32 $0x2000, v11;
	v9 =	vld [tilespmem:s5+$0x600]  }
0x62: {  	v21 =	vor.u32 $0x2400, v11;
	v17 =	vld.idx.msk [tilespmem:v17+s14+$0x0], $0xffff  }
0x63: {  	v22 =	vor.u32 $0x2800, v11;
	v20 =	vld.idx.msk [tilespmem:v8+s14+$0x0], $0xffff  }
0x64: {  	v23 =	vor.u32 $0x2C00, v11;
	v8 =	vld [tilespmem:s7+$0x600]  }
0x65: {  	v24 =	vor.u32 $0x3000, v11;
	v18 =	vld.idx.msk [tilespmem:v18+s14+$0x0], $0xffff  }
0x66: {  	v25 =	vor.u32 $0x3400, v11;
	v19 =	vld.idx.msk [tilespmem:v19+s14+$0x0], $0xffff  }
0x67: {  	v26 =	vor.u32 $0x3800, v11;
	v21 =	vld.idx.msk [tilespmem:v21+s14+$0x0], $0xffff;
	vm3 =	vgt.s32 v9, $0x0  }
0x68: {  	v22 =	vld.idx.msk [tilespmem:v22+s14+$0x0], $0xffff;
	v11 =	vor.u32 $0x3C00, v11;
	v27 =	vnsel vm3, $0x0, v9  }
0x69: {  	v23 =	vld.idx.msk [tilespmem:v23+s14+$0x0], $0xffff;
	v27 =	vmin.u32 v27, $0x3FF;
	vm3 =	vgt.s32 v8, $0x0  }
0x6a: {  	v24 =	vld.idx.msk [tilespmem:v24+s14+$0x0], $0xffff;
	v28 =	vor.u32 $0x400, v27;
	v29 =	vnsel vm3, $0x0, v8  }
0x6b: {  	v25 =	vld.idx.msk [tilespmem:v25+s14+$0x0], $0xffff;
	v29 =	vmin.u32 v29, $0x3FF  }
0x6c: {  	v26 =	vld.idx.msk [tilespmem:v26+s14+$0x0], $0xffff;
	v30 =	vor.u32 $0x800, v27  }
0x6d: {  	v11 =	vld.idx.msk [tilespmem:v11+s14+$0x0], $0xffff;
	v32 =	vor.u32 $0x400, v29  }
0x6e: {  	v33 =	vor.u32 $0xC00, v27;
	v31 =	vld.idx.msk [tilespmem:v27+s14+$0x0], $0xffff  }
0x6f: {  	v28 =	vld.idx.msk [tilespmem:v28+s14+$0x0], $0xffff;
	v34 =	vor.u32 $0x800, v29  }
0x70: {  	v14 =	vadd.f32 $0.0e+00, v14;
	v35 =	vor.u32 $0x1000, v27;
	v36 =	vld.idx.msk [tilespmem:v29+s14+$0x0], $0xffff  }
0x71: {  	v30 =	vld.idx.msk [tilespmem:v30+s14+$0x0], $0xffff;
	v37 =	vor.u32 $0xC00, v29  }
0x72: {  	v14 =	vadd.f32 v15, v14;
	v50 =	vor.u32 $0x1400, v27;
	v32 =	vld.idx.msk [tilespmem:v32+s14+$0x0], $0xffff  }
0x73: {  	v33 =	vld.idx.msk [tilespmem:v33+s14+$0x0], $0xffff;
	v38 =	vor.u32 $0x1000, v29;
	v49 =	vadd.f32 $0.0e+00, v31  }
0x74: {  	v14 =	vadd.f32 v16, v14;
	v51 =	vor.u32 $0x1800, v27;
	v52 =	vld.idx.msk [tilespmem:v34+s14+$0x0], $0xffff  }
0x75: {  	v53 =	vld.idx.msk [tilespmem:v35+s14+$0x0], $0xffff;
	v55 =	vor.u32 $0x1400, v29;
	v15 =	vadd.f32 v28, v49;
	v54 =	vadd.f32 $0.0e+00, v36  }
0x76: {  	v12 =	vadd.f32 v12, v14;
	v59 =	vor.u32 $0x1800, v29;
	v58 =	vld.idx.msk [tilespmem:v37+s14+$0x0], $0xffff  }
0x77: {  	v57 =	vor.u32 $0x1C00, v27;
	v31 =	vld.idx.msk [tilespmem:v50+s14+$0x0], $0xffff;
	v56 =	vadd.f32 v30, v15;
	v32 =	vadd.f32 v32, v54  }
0x78: {  	v61 =	vor.u32 $0x2000, v27;
	v12 =	vadd.f32 v13, v12;
	v62 =	vld.idx.msk [tilespmem:v38+s14+$0x0], $0xffff  }
0x79: {  	v16 =	vld.idx.msk [tilespmem:v51+s14+$0x0], $0xffff;
	v63 =	vor.u32 $0x1C00, v29;
	v60 =	vadd.f32 v33, v56;
	v28 =	vadd.f32 v52, v32  }
0x7a: {  	v39 =	vor.u32 $0x2000, v29;
	v12 =	vadd.f32 v20, v12;
	v38 =	vld.idx.msk [tilespmem:v55+s14+$0x0], $0xffff  }
0x7b: {  	v37 =	vor.u32 $0x2400, v27;
	v41 =	vld.idx.msk [tilespmem:v59+s14+$0x0], $0xffff;
	v13 =	vadd.f32 v53, v60;
	v28 =	vadd.f32 v58, v28  }
0x7c: {  	v40 =	vor.u32 $0x2800, v27;
	v12 =	vadd.f32 v17, v12;
	v15 =	vld.idx.msk [tilespmem:v57+s14+$0x0], $0xffff  }
0x7d: {  	v14 =	vld.idx.msk [tilespmem:v61+s14+$0x0], $0xffff;
	v42 =	vor.u32 $0x2400, v29;
	v13 =	vadd.f32 v31, v13;
	v28 =	vadd.f32 v62, v28  }
0x7e: {  	v45 =	vor.u32 $0x2800, v29;
	v12 =	vadd.f32 v18, v12;
	v44 =	vld.idx.msk [tilespmem:v63+s14+$0x0], $0xffff  }
0x7f: {  	v43 =	vor.u32 $0x2C00, v27;
	v47 =	vld.idx.msk [tilespmem:v39+s14+$0x0], $0xffff;
	v13 =	vadd.f32 v16, v13;
	v28 =	vadd.f32 v38, v28  }
0x80: {  	v48 =	vor.u32 $0x2C00, v29;
	v12 =	vadd.f32 v19, v12;
	v20 =	vld.idx.msk [tilespmem:v37+s14+$0x0], $0xffff  }
0x81: {  	v46 =	vor.u32 $0x3000, v27;
	v17 =	vld.idx.msk [tilespmem:v40+s14+$0x0], $0xffff;
	v13 =	vadd.f32 v15, v13;
	v28 =	vadd.f32 v41, v28  }
0x82: {  	v51 =	vor.u32 $0x3000, v29;
	v50 =	vld.idx.msk [tilespmem:v42+s14+$0x0], $0xffff;
	v12 =	vadd.f32 v21, v12  }
0x83: {  	v49 =	vor.u32 $0x3400, v27;
	v53 =	vld.idx.msk [tilespmem:v45+s14+$0x0], $0xffff;
	v13 =	vadd.f32 v14, v13;
	v18 =	vadd.f32 v44, v28  }
0x84: {  	v12 =	vadd.f32 v22, v12;
	v54 =	vor.u32 $0x3400, v29;
	v16 =	vld.idx.msk [tilespmem:v43+s14+$0x0], $0xffff  }
0x85: {  	v56 =	vld.idx.msk [tilespmem:v48+s14+$0x0], $0xffff;
	v52 =	vor.u32 $0x3800, v27;
	v13 =	vadd.f32 v20, v13;
	v18 =	vadd.f32 v47, v18  }
0x86: {  	v57 =	vor.u32 $0x3800, v29;
	v12 =	vadd.f32 v23, v12;
	v15 =	vld.idx.msk [tilespmem:v46+s14+$0x0], $0xffff  }
0x87: {  	v55 =	vor.u32 $0x3C00, v27;
	v58 =	vld.idx.msk [tilespmem:v51+s14+$0x0], $0xffff;
	v13 =	vadd.f32 v17, v13;
	v18 =	vadd.f32 v50, v18  }
0x88: {  	v12 =	vadd.f32 v24, v12;
	v14 =	vld.idx.msk [tilespmem:v49+s14+$0x0], $0xffff  }
0x89: {  	v59 =	vor.u32 $0x3C00, v29;
	v60 =	vld.idx.msk [tilespmem:v54+s14+$0x0], $0xffff;
	v13 =	vadd.f32 v16, v13;
	v18 =	vadd.f32 v53, v18  }
0x8a: {  	v12 =	vadd.f32 v25, v12;
	v20 =	vld.idx.msk [tilespmem:v52+s14+$0x0], $0xffff  }
0x8b: {  	v61 =	vld.idx.msk [tilespmem:v57+s14+$0x0], $0xffff;
	v13 =	vadd.f32 v15, v13;
	v18 =	vadd.f32 v56, v18  }
0x8c: {  	v12 =	vadd.f32 v26, v12;
	v17 =	vld.idx.msk [tilespmem:v55+s14+$0x0], $0xffff  }
0x8d: {  	v13 =	vadd.f32 v14, v13;
	v16 =	vadd.f32 v58, v18  }
0x8e: {  	v63 =	vld.idx.msk [tilespmem:v59+s14+$0x0], $0xffff;
	v11 =	vadd.f32 v11, v12  }
0x8f: {  	v62 =	vadd.f32 v20, v13;
	v15 =	vadd.f32 v60, v16  }
0x90: {  	v11 =	vnsel vm0, $0x0, v11  }
0x91: {  	(xrf0) =	vmax.scan.msk.f32 $0xffff, v11;
	v12 =	vadd.f32 v17, v62;
	v11 =	vadd.f32 v61, v15;
	_ =	sdelay $0x1  }
0x92: {  	v12 =	vnsel vm1, $0x0, v12;
	v11 =	vadd.f32 v63, v11  }
0x93: {  	(xrf0) =	vmax.scan.msk.f32 $0xffff, v12  }
0x94: {  	v11 =	vnsel vm2, $0x0, v11;
	_ =	sdelay $0x1  }
0x95: {  	(xrf0) =	vmax.scan.msk.f32 $0xffff, v11  }
0x96: {  	v11, _, _ =	vpop (xrf0)  }
0x97: {  	(v2sf) =	vpush v11, $0xF  }
0x98: {  	v11, _, _ =	vpop (xrf0)  }
0x99: {  	(v2sf) =	vpush v11, $0xF;
	_ =	sdelay $0x1  }
0x9a: {  	v11, _, _ =	vpop (xrf0)  }
0x9b: {  	(v2sf) =	vpush v11, $0xF;
	_ =	sdelay $0x9  }
0x9c: {  	s17 =	spop (v2sf)  }
0x9d: {  	p0 =	sgt.f32 s17, $1.000000000e+02  }
0x9e: {  	s17 =	spop (v2sf)  }
0x9f: {  	p1 =	sgt.f32 @!p0 s17, $1.000000000e+02;
	_ =	sdelay $0x1  }
0xa0: {  	s17 =	spop (v2sf);
	p0 =	por p0, p1  }
0xa1: {  	p1 =	sgt.f32 @!p0 s17, $1.000000000e+02;
	_ =	sdelay $0x1  }
0xa2: {  	p0 =	por p0, p1  }
.Ltmp4:
0xa3: {  	_ = 	snop;
	(pc) =	sbr.rel @!p0 .LBB2_13-.Ltmp4, $2  }
0xa4: {  	_ =	sdelay $0x2  }
0xa5: {  	vm4 =	vmmov vm1;
	vm5 =	vmmov vm2;
	vm3 =	vmmov vm0  }
0xa6: {  	s17 =	simm.s32 $0x0  }
0xa7: {  	v16 =	vmov s17;
	_ =	sdelay $0x3  }
0xa8: {  	v13 =	vld [tilespmem:s4+$0x0];
	s31 =	simm.s32 $0x1  }
0xa9: {  	v15 =	vmov s31;
	v17 =	vld.idx.msk [tilespmem:v16+s3+$0x0], $0xffff;
	_ =	sdelay $0x1  }
0xaa: {  	v11 =	vld.idx.msk [tilespmem:v16+s12+$0x0], $0xffff;
	_ =	sdelay $0x2  }
0xab: {  	v12 =	vimm.s32 $0x0;
	s17 =	simm.s32 $0x2;
	vm4 =	vlt.u32 v16, v0;
	v14 =	vld.idx.msk [tilespmem:v15+s3+$0x0], $0xffff;
	v16 =	vmovc v15;
	vm3 =	veq.f32 v17, v13  }
.LBB2_7:
0xac: {  	v18 =	vmov s17;
	p0 =	sne.s32 s17, $0x4E7;
	s17 =	sadd.s32 $0x1, s17;
	vm5 =	vlt.f32 v17, v13;
	vm3 =	vmand vm4, vm3  }
.Ltmp5:
0xad: {  	vm4 =	veq.s32 v11, v10;
	v11 =	vld.idx.msk [tilespmem:v15+s12+$0x0], $0xffff;
	vm3 =	vmor vm5, vm3;
	v15 =	vmov v18;
	(pc) =	sbr.rel @p0 .LBB2_7-.Ltmp5, $4  }
0xae: {  	vm3 =	vmand vm4, vm3  }
0xaf: {  	v19 =	vsel vm3, $0x1, v7  }
0xb0: {  	v12 =	vadd.s32 v19, v12  }
0xb1: {  	vm4 =	vlt.u32 v16, v0;
	v16 =	vmovc v18;
	vm3 =	veq.f32 v14, v13;
	v17 =	vmov v14;
	v14 =	vld.idx.msk [tilespmem:v18+s3+$0x0], $0xffff  }
0xb2: {  	_ =	sdelay $0x3  }
0xb3: {  	s17 =	simm.s32 $0x0;
	v15 =	vld.idx.msk [tilespmem:v15+s12+$0x0], $0xffff  }
0xb4: {  	v18 =	vmov s17  }
0xb5: {  	vm5 =	vlt.f32 v17, v13;
	vm3 =	vmand vm4, vm3  }
0xb6: {  	vm6 =	vlt.u32 v16, v0;
	vm3 =	vmor vm5, vm3;
	vm5 =	veq.f32 v14, v13  }
0xb7: {  	vm4 =	veq.s32 v11, v10;
	vm5 =	vmand vm6, vm5;
	vm6 =	vlt.f32 v14, v13  }
0xb8: {  	v11 =	vld [tilespmem:s4+$0x10];
	s31 =	simm.s32 $0x1;
	vm3 =	vmand vm4, vm3;
	vm4 =	vmor vm6, vm5;
	vm5 =	veq.s32 v15, v10  }
0xb9: {  	v14 =	vmov s31;
	v17 =	vld.idx.msk [tilespmem:v18+s3+$0x0], $0xffff;
	v10 =	vsel vm3, $0x1, v7;
	vm3 =	vmand vm5, vm4  }
0xba: {  	v10 =	vadd.s32 v10, v12;
	v12 =	vsel vm3, $0x1, v7  }
0xbb: {  	v10 =	vadd.s32 v12, v10;
	v12 =	vld.idx.msk [tilespmem:v18+s12+$0x0], $0xffff;
	_ =	sdelay $0x2  }
0xbc: {  	s17 =	simm.s32 $0x2;
	v13 =	vimm.s32 $0x0;
	v16 =	vmovc v14;
	vm4 =	vlt.u32 v18, v1;
	v15 =	vld.idx.msk [tilespmem:v14+s3+$0x0], $0xffff;
	vm3 =	veq.f32 v17, v11  }
.LBB2_9:
0xbd: {  	v18 =	vmov s17;
	p0 =	sne.s32 s17, $0x4E7;
	s17 =	sadd.s32 $0x1, s17;
	vm5 =	vlt.f32 v17, v11;
	vm3 =	vmand vm4, vm3  }
.Ltmp6:
0xbe: {  	vm4 =	veq.s32 v12, v9;
	v12 =	vld.idx.msk [tilespmem:v14+s12+$0x0], $0xffff;
	vm3 =	vmor vm5, vm3;
	v14 =	vmov v18;
	(pc) =	sbr.rel @p0 .LBB2_9-.Ltmp6, $4  }
0xbf: {  	vm3 =	vmand vm4, vm3  }
0xc0: {  	v19 =	vsel vm3, $0x1, v7  }
0xc1: {  	v13 =	vadd.s32 v19, v13  }
0xc2: {  	vm4 =	vlt.u32 v16, v1;
	v16 =	vmovc v18;
	vm3 =	veq.f32 v15, v11;
	v17 =	vmov v15;
	v15 =	vld.idx.msk [tilespmem:v18+s3+$0x0], $0xffff  }
0xc3: {  	_ =	sdelay $0x1  }
0xc4: {  	s17 =	simm.s32 $0x0  }
0xc5: {  	v18 =	vmov s17  }
0xc6: {  	v19 =	vld.idx.msk [tilespmem:v14+s12+$0x0], $0xffff  }
0xc7: {  	vm5 =	vlt.f32 v17, v11  }
0xc8: {  	vm3 =	vmand vm4, vm3;
	vm4 =	veq.s32 v12, v9;
	vm6 =	vlt.u32 v16, v1;
	s31 =	simm.s32 $0x1  }
0xc9: {  	v12 =	vld [tilespmem:s4+$0x20];
	vm3 =	vmor vm5, vm3;
	v14 =	vmov s31;
	vm5 =	veq.f32 v15, v11  }
0xca: {  	vm3 =	vmand vm4, vm3;
	vm5 =	vmand vm6, vm5;
	vm6 =	vlt.f32 v15, v11;
	v17 =	vld.idx.msk [tilespmem:v18+s3+$0x0], $0xffff  }
0xcb: {  	vm4 =	vmor vm6, vm5;
	vm5 =	veq.s32 v19, v9;
	v9 =	vsel vm3, $0x1, v7  }
0xcc: {  	v9 =	vadd.s32 v9, v13;
	v13 =	vld.idx.msk [tilespmem:v18+s12+$0x0], $0xffff  }
0xcd: {  	vm3 =	vmand vm5, vm4  }
0xce: {  	vm4 =	vlt.u32 v18, v2;
	v11 =	vsel vm3, $0x1, v7  }
0xcf: {  	s17 =	simm.s32 $0x2;
	v16 =	vmovc v14;
	v15 =	vld.idx.msk [tilespmem:v14+s3+$0x0], $0xffff;
	v9 =	vadd.s32 v11, v9;
	v11 =	vimm.s32 $0x0;
	vm3 =	veq.f32 v17, v12  }
.LBB2_11:
0xd0: {  	v18 =	vmov s17;
	p0 =	sne.s32 s17, $0x4E7;
	s17 =	sadd.s32 $0x1, s17;
	vm5 =	vlt.f32 v17, v12;
	vm3 =	vmand vm4, vm3  }
.Ltmp7:
0xd1: {  	vm4 =	veq.s32 v13, v8;
	v13 =	vld.idx.msk [tilespmem:v14+s12+$0x0], $0xffff;
	vm3 =	vmor vm5, vm3;
	v14 =	vmov v18;
	(pc) =	sbr.rel @p0 .LBB2_11-.Ltmp7, $4  }
0xd2: {  	vm3 =	vmand vm4, vm3  }
0xd3: {  	v19 =	vsel vm3, $0x1, v7  }
0xd4: {  	v11 =	vadd.s32 v19, v11  }
0xd5: {  	vm4 =	vlt.u32 v16, v2;
	v16 =	vmovc v18;
	vm3 =	veq.f32 v15, v12;
	v17 =	vmov v15;
	v15 =	vld.idx.msk [tilespmem:v18+s3+$0x0], $0xffff  }
0xd6: {  	_ =	sdelay $0x3  }
0xd7: {  	v14 =	vld.idx.msk [tilespmem:v14+s12+$0x0], $0xffff;
	_ =	sdelay $0x1  }
0xd8: {  	vm5 =	vlt.f32 v17, v12;
	vm3 =	vmand vm4, vm3  }
0xd9: {  	vm3 =	vmor vm5, vm3;
	vm5 =	vlt.u32 v16, v2;
	vm4 =	veq.f32 v15, v12  }
0xda: {  	vm6 =	veq.s32 v13, v8;
	vm4 =	vmand vm5, vm4;
	vm5 =	vlt.f32 v15, v12  }
0xdb: {  	vm3 =	vmand vm6, vm3;
	vm4 =	vmor vm5, vm4;
	vm5 =	veq.s32 v14, v8  }
.Ltmp8:
0xdc: {  	v8 =	vsel vm3, $0x1, v7;
	vm3 =	vmand vm5, vm4;
	(pc) =	sbr.rel .LBB2_13-.Ltmp8, $4  }
0xdd: {  	v8 =	vadd.s32 v8, v11;
	v63 =	vsel vm3, $0x1, v7  }
0xde: {  	v8 =	vadd.s32 v63, v8  }
0xdf: {  	vm4 =	vlt.s32 v9, $0x64;
	vm3 =	vlt.s32 v10, $0x64;
	vm5 =	vlt.s32 v8, $0x64  }
0xe0: {  	vm4 =	vmand vm1, vm4;
	vm3 =	vmand vm0, vm3;
	vm5 =	vmand vm2, vm5  }
.LBB2_14:
0xe1: {  	_ =	sfence.sel $0x180000  }
0xe2: {  	[bflag:$0x0] =	sbarrier.arrive $0xFFFF  }
0xe3: {  	p0 =	sne.s32 s0, $0x0;
	_ =	strace $0x90000047  }
0xe4: {  	s0 =	sadd.s32 @!p0 $0x100000, s1;
	[bflag:$0x2] =	sbarrier.arrive $0xFFFF  }
0xe5: {  	[sflag:s0] =	ssyncadd.tile.s32 @!p0 $0x1;
	_ =	shalt  }
.Lfunc_end2:
_tile_overlayer_lowered:
.L_overlay_start_2:
0xe6: {  	(tag) =	ssettag $0x2  }
0xe7: {  	s0 =	rddreg [dreg:$0x0];
	s2 =	stileid.u32  }
0xe8: {  	s1 =	rddreg [dreg:$0x1];
	p0 =	sne.s32 s2, $0x0  }
0xe9: {  	s3 =	rddreg [dreg:$0x2];
	[bflag:$0x3] =	sbarrier.arrive $0xFFFF;
	s2 =	simm.s32 @!p0 $0x1C01  }
0xea: {  	[timem:s3], [sflag:s2] =	dma.local @!p0 [hbm:s0], s1  }
0xeb: {  	s0 =	simm.s32 @!p0 $0x1  }
0xec: {  	_ =	swait.ge @!p0 [sflag:s0], s1  }
0xed: {  	s1 =	ssub.s32 @!p0 $0x0, s1;
	[sflag:s0] =	ssyncset.done @!p0 $0x0  }
0xee: {  	[sflag:s0] =	ssyncadd.s32 @!p0 s1  }
0xef: {  	[bflag:$0x3] =	sbarrier.arrive $0xFFFF  }
0xf0: {  	_ =	shalt  }

</sc_bundles>
